<compile_context>
chip_gen: v7x
topology: tpu7x:2x2x1
jax: 0.10.2.dev20260603
libtpu: 0.0.44.dev20260713+nightly
codegen_flags: <defaults>
</compile_context>

<pallas_src>
import functools

import jax
import jax.numpy as jnp
from jax import lax
from jax.experimental import pallas as pl
from jax.experimental.pallas import tpu as pltpu
from jax.experimental.pallas import tpu_sc as plsc

N = 10000
E = 320000
D = 128
DE = 16

NODE_BLK = 1000
EDGE_BLK = 4000
N_SC = 2
N_SUBC = 16
NP = 10240
ROWS_PER_TILE = NP // N_SUBC


def _s1_body(x_ref, wl_ref, bl_ref, wr_ref, br_ref, xl_ref, xr_ref):
    xb = x_ref[...]
    dn = (((1,), (1,)), ((), ()))
    xl_ref[...] = lax.dot_general(xb, wl_ref[...], dn,
                                  preferred_element_type=jnp.float32) + bl_ref[...]
    xr_ref[...] = lax.dot_general(xb, wr_ref[...], dn,
                                  preferred_element_type=jnp.float32) + br_ref[...]


def _s1(x, Wl, bl2, Wr, br2):
    grid = (N // NODE_BLK,)
    return pl.pallas_call(
        _s1_body,
        grid=grid,
        in_specs=[
            pl.BlockSpec((NODE_BLK, D), lambda i: (i, 0)),
            pl.BlockSpec((D, D), lambda i: (0, 0)),
            pl.BlockSpec((1, D), lambda i: (0, 0)),
            pl.BlockSpec((D, D), lambda i: (0, 0)),
            pl.BlockSpec((1, D), lambda i: (0, 0)),
        ],
        out_specs=[
            pl.BlockSpec((NODE_BLK, D), lambda i: (i, 0)),
            pl.BlockSpec((NODE_BLK, D), lambda i: (i, 0)),
        ],
        out_shape=[
            jax.ShapeDtypeStruct((N, D), jnp.float32),
            jax.ShapeDtypeStruct((N, D), jnp.float32),
        ],
    )(x, Wl, bl2, Wr, br2)


CH = 128
NCH = E // CH
NW = N_SC * N_SUBC
NJ = -(-NCH // NW)


def _s2(xl, xr, src1d, dst1d):
    mesh = plsc.VectorSubcoreMesh(core_axis_name="c", subcore_axis_name="s")

    @functools.partial(
        pl.kernel,
        out_type=(
            jax.ShapeDtypeStruct((E, D), jnp.float32),
            jax.ShapeDtypeStruct((E, D), jnp.float32),
        ),
        mesh=mesh,
        scratch_types=[
            pltpu.VMEM((CH,), jnp.int32),
            pltpu.VMEM((CH,), jnp.int32),
            pltpu.VMEM((CH, D), jnp.float32),
            pltpu.VMEM((CH, D), jnp.float32),
            pltpu.SemaphoreType.DMA,
            pltpu.SemaphoreType.DMA,
        ],
    )
    def k(xl_hbm, xr_hbm, src_hbm, dst_hbm, gl_hbm, gr_hbm,
          sidx, didx, glv, grv, sem0, sem1):
        w = lax.axis_index("s") * N_SC + lax.axis_index("c")

        @pl.loop(0, NJ)
        def _(j):
            cid = j * NW + w

            @pl.when(cid < NCH)
            def _():
                base = cid * CH
                pltpu.sync_copy(src_hbm.at[pl.ds(base, CH)], sidx)
                pltpu.sync_copy(dst_hbm.at[pl.ds(base, CH)], didx)
                a = pltpu.async_copy(xl_hbm.at[sidx], glv, sem0)
                b = pltpu.async_copy(xr_hbm.at[didx], grv, sem1)
                a.wait()
                b.wait()
                pltpu.sync_copy(glv, gl_hbm.at[pl.ds(base, CH)])
                pltpu.sync_copy(grv, gr_hbm.at[pl.ds(base, CH)])

    return k(xl, xr, src1d, dst1d)


DX = D + DE


def _s3_body(gl_ref, gr_ref, ea_ref, we_ref, att_ref, msgx_ref):
    gl = gl_ref[...]
    dn = (((1,), (1,)), ((), ()))
    t = gl + gr_ref[...] + lax.dot_general(ea_ref[...], we_ref[...], dn,
                                           preferred_element_type=jnp.float32)
    t = jnp.where(t > 0, t, 0.2 * t)
    logit = jnp.sum(t * att_ref[...], axis=1, keepdims=True)
    ex = jnp.exp(logit)
    lane = lax.broadcasted_iota(jnp.int32, (EDGE_BLK, DE), 1)
    exz = jnp.where(lane == 0, ex, 0.0)
    msgx_ref[...] = jnp.concatenate([gl * ex, exz], axis=1)


def _s3(gl, gr, edge_attr, We, att2):
    grid = (E // EDGE_BLK,)
    return pl.pallas_call(
        _s3_body,
        grid=grid,
        in_specs=[
            pl.BlockSpec((EDGE_BLK, D), lambda i: (i, 0)),
            pl.BlockSpec((EDGE_BLK, D), lambda i: (i, 0)),
            pl.BlockSpec((EDGE_BLK, DE), lambda i: (i, 0)),
            pl.BlockSpec((D, DE), lambda i: (0, 0)),
            pl.BlockSpec((1, D), lambda i: (0, 0)),
        ],
        out_specs=pl.BlockSpec((EDGE_BLK, DX), lambda i: (i, 0)),
        out_shape=jax.ShapeDtypeStruct((E, DX), jnp.float32),
    )(gl, gr, edge_attr, We, att2)


EB = 4000
NBC = 1024


def _s4tc_body(dst_ref, msgx_ref, num_ref, acc):
    step = pl.program_id(0)

    @pl.when(step == 0)
    def _():
        acc[...] = jnp.zeros_like(acc[...])

    dstv = dst_ref[0, 0, :]
    msgxb = msgx_ref[...].astype(jnp.bfloat16)
    rows = lax.broadcasted_iota(jnp.int32, (NBC, EB), 0)
    dn = (((1,), (0,)), ((), ()))
    for chunk in range(NP // NBC):
        d2 = dstv - chunk * NBC
        pt = jnp.where(rows == d2[None, :], 1.0, 0.0).astype(jnp.bfloat16)
        acc[pl.ds(chunk * NBC, NBC), :] += lax.dot_general(
            pt, msgxb, dn, preferred_element_type=jnp.float32)

    @pl.when(step == pl.num_programs(0) - 1)
    def _():
        num_ref[...] = acc[...]


def _s4tc(msgx, dst3d):
    return pl.pallas_call(
        _s4tc_body,
        grid=(E // EB,),
        in_specs=[
            pl.BlockSpec((1, 1, EB), lambda i: (i, 0, 0)),
            pl.BlockSpec((EB, DX), lambda i: (i, 0)),
        ],
        out_specs=pl.BlockSpec((NP, DX), lambda i: (0, 0)),
        out_shape=jax.ShapeDtypeStruct((NP, DX), jnp.float32),
        scratch_shapes=[
            pltpu.VMEM((NP, DX), jnp.float32),
        ],
    )(dst3d, msgx)


def _s5_body(numx_ref, xl_ref, xr_ref, att_ref, gb_ref, h1_ref, st_ref):
    xl = xl_ref[...]
    t = xl + xr_ref[...]
    t = jnp.where(t > 0, t, 0.2 * t)
    ls = jnp.sum(t * att_ref[...], axis=1, keepdims=True)
    exs = jnp.exp(ls)
    numx = numx_ref[...]
    num = numx[:, 0:D] + exs * xl
    den = numx[:, D:D + 1] + exs
    h1 = num / (den + 1e-16) + gb_ref[...]
    h1_ref[...] = h1
    s = jnp.sum(h1)
    ss = jnp.sum(h1 * h1)
    lane = lax.broadcasted_iota(jnp.int32, (1, 1, D), 2)
    st_ref[...] = jnp.where(lane == 0, s, 0.0) + jnp.where(lane == 1, ss, 0.0)


def _s5(numx, xl, xr, att2, gb2):
    grid = (N // NODE_BLK,)
    return pl.pallas_call(
        _s5_body,
        grid=grid,
        in_specs=[
            pl.BlockSpec((NODE_BLK, DX), lambda i: (i, 0)),
            pl.BlockSpec((NODE_BLK, D), lambda i: (i, 0)),
            pl.BlockSpec((NODE_BLK, D), lambda i: (i, 0)),
            pl.BlockSpec((1, D), lambda i: (0, 0)),
            pl.BlockSpec((1, D), lambda i: (0, 0)),
        ],
        out_specs=[
            pl.BlockSpec((NODE_BLK, D), lambda i: (i, 0)),
            pl.BlockSpec((1, 1, D), lambda i: (i, 0, 0)),
        ],
        out_shape=[
            jax.ShapeDtypeStruct((N, D), jnp.float32),
            jax.ShapeDtypeStruct((N // NODE_BLK, 1, D), jnp.float32),
        ],
    )(numx, xl, xr, att2, gb2)


def _s6_body(h1_ref, st_ref, w1_ref, b1_ref, wlin_ref, blin_ref, h2_ref, st2_ref):
    cnt = float(N * D)
    s = jnp.sum(st_ref[...][:, 0, 0])
    ss = jnp.sum(st_ref[...][:, 0, 1])
    mean = s / cnt
    var = jnp.maximum(ss / cnt - mean * mean, 0.0)
    std = jnp.sqrt(var)
    a = (h1_ref[...] - mean) / (std + 1e-5) * w1_ref[...] + b1_ref[...]
    a = jnp.maximum(a, 0.0)
    dn = (((1,), (1,)), ((), ()))
    h2 = lax.dot_general(a, wlin_ref[...], dn,
                         preferred_element_type=jnp.float32) + blin_ref[...]
    h2_ref[...] = h2
    s2 = jnp.sum(h2)
    ss2 = jnp.sum(h2 * h2)
    lane = lax.broadcasted_iota(jnp.int32, (1, 1, D), 2)
    st2_ref[...] = jnp.where(lane == 0, s2, 0.0) + jnp.where(lane == 1, ss2, 0.0)


def _s6(h1, st1, n1w2, n1b2, Wlin, blin2):
    grid = (N // NODE_BLK,)
    nb = N // NODE_BLK
    return pl.pallas_call(
        _s6_body,
        grid=grid,
        in_specs=[
            pl.BlockSpec((NODE_BLK, D), lambda i: (i, 0)),
            pl.BlockSpec((nb, 1, D), lambda i: (0, 0, 0)),
            pl.BlockSpec((1, D), lambda i: (0, 0)),
            pl.BlockSpec((1, D), lambda i: (0, 0)),
            pl.BlockSpec((D, D), lambda i: (0, 0)),
            pl.BlockSpec((1, D), lambda i: (0, 0)),
        ],
        out_specs=[
            pl.BlockSpec((NODE_BLK, D), lambda i: (i, 0)),
            pl.BlockSpec((1, 1, D), lambda i: (i, 0, 0)),
        ],
        out_shape=[
            jax.ShapeDtypeStruct((N, D), jnp.float32),
            jax.ShapeDtypeStruct((nb, 1, D), jnp.float32),
        ],
    )(h1, st1, n1w2, n1b2, Wlin, blin2)


def _s7_body(h2_ref, st_ref, w2_ref, b2_ref, x_ref, out_ref):
    cnt = float(N * D)
    s = jnp.sum(st_ref[...][:, 0, 0])
    ss = jnp.sum(st_ref[...][:, 0, 1])
    mean = s / cnt
    var = jnp.maximum(ss / cnt - mean * mean, 0.0)
    std = jnp.sqrt(var)
    h = (h2_ref[...] - mean) / (std + 1e-5) * w2_ref[...] + b2_ref[...] + x_ref[...]
    out_ref[...] = jnp.maximum(h, 0.0)


def _s7(h2, st2, n2w2, n2b2, x):
    grid = (N // NODE_BLK,)
    nb = N // NODE_BLK
    return pl.pallas_call(
        _s7_body,
        grid=grid,
        in_specs=[
            pl.BlockSpec((NODE_BLK, D), lambda i: (i, 0)),
            pl.BlockSpec((nb, 1, D), lambda i: (0, 0, 0)),
            pl.BlockSpec((1, D), lambda i: (0, 0)),
            pl.BlockSpec((1, D), lambda i: (0, 0)),
            pl.BlockSpec((NODE_BLK, D), lambda i: (i, 0)),
        ],
        out_specs=pl.BlockSpec((NODE_BLK, D), lambda i: (i, 0)),
        out_shape=jax.ShapeDtypeStruct((N, D), jnp.float32),
    )(h2, st2, n2w2, n2b2, x)


def kernel(x, edge_index, edge_attr, Wl, bl, Wr, br, We, att, gat_bias,
           n1w, n1b, Wlin, blin, n2w, n2b):
    src1d = edge_index[0].astype(jnp.int32)
    dst1d = edge_index[1].astype(jnp.int32)
    bl2 = bl.reshape(1, D)
    br2 = br.reshape(1, D)
    att2 = att.reshape(1, D)
    gb2 = gat_bias.reshape(1, D)
    n1w2 = n1w.reshape(1, D)
    n1b2 = n1b.reshape(1, D)
    blin2 = blin.reshape(1, D)
    n2w2 = n2w.reshape(1, D)
    n2b2 = n2b.reshape(1, D)

    xl, xr = _s1(x, Wl, bl2, Wr, br2)
    gl, gr = _s2(xl, xr, src1d, dst1d)
    msgx = _s3(gl, gr, edge_attr, We, att2)
    dst3d = dst1d.reshape(E // EB, 1, EB)
    numx = _s4tc(msgx, dst3d)
    h1, st1 = _s5(numx, xl, xr, att2, gb2)
    h2, st2 = _s6(h1, st1, n1w2, n1b2, Wlin, blin2)
    return _s7(h2, st2, n2w2, n2b2, x)

# --- scband reference (transcript-rebuilt; emitter-appended) ---
"""Pipeline reference for scband-gatblock-29652454211795 (READ-ONLY COPY).

The authoritative reference and input builder live on the scoring server;
editing this copy changes nothing except your own understanding.
"""

import jax, jax.numpy as jnp
import numpy as np

N = 10000
E = 320000
D = 128
DE = 16
H = 1


def setup_inputs(seed: int = 0) -> dict:
    key = jax.random.key(seed)
    ks = jax.random.split(key, 16)
    x = jax.random.normal(ks[0], (N, D), dtype=jnp.float32)
    # build edges with no self-loops (PyG GATv2Conv removes them before adding fresh ones)
    dst = jax.random.randint(ks[1], (E,), 0, N)
    off = jax.random.randint(ks[2], (E,), 1, N)
    src = (dst + off) % N
    edge_index = jnp.stack([src, dst]).astype(jnp.int32)
    edge_attr = jax.random.normal(ks[3], (E, DE), dtype=jnp.float32)
    g = 0.088  # ~glorot scale for fan 128
    Wl = jax.random.normal(ks[4], (H * D, D), dtype=jnp.float32) * g
    bl = jnp.zeros((H * D,), dtype=jnp.float32)
    Wr = jax.random.normal(ks[5], (H * D, D), dtype=jnp.float32) * g
    br = jnp.zeros((H * D,), dtype=jnp.float32)
    We = jax.random.normal(ks[6], (H * D, DE), dtype=jnp.float32) * 0.15
    att = jax.random.normal(ks[7], (H * D,), dtype=jnp.float32) * g
    gat_bias = jnp.zeros((H * D,), dtype=jnp.float32)
    n1w = jnp.ones((H * D,), dtype=jnp.float32)
    n1b = jnp.zeros((H * D,), dtype=jnp.float32)
    Wlin = jax.random.normal(ks[8], (D, H * D), dtype=jnp.float32) * g
    blin = jnp.zeros((D,), dtype=jnp.float32)
    n2w = jnp.ones((D,), dtype=jnp.float32)
    n2b = jnp.zeros((D,), dtype=jnp.float32)
    return {"x": x, "edge_index": edge_index, "edge_attr": edge_attr,
            "Wl": Wl, "bl": bl, "Wr": Wr, "br": br, "We": We, "att": att,
            "gat_bias": gat_bias, "n1w": n1w, "n1b": n1b,
            "Wlin": Wlin, "blin": blin, "n2w": n2w, "n2b": n2b}


def _gatv2(x, edge_index, edge_attr, Wl, bl, Wr, br, We, att, gat_bias):
    n = x.shape[0]
    src = edge_index[0]
    dst = edge_index[1]
    loop = jnp.arange(n, dtype=src.dtype)
    src = jnp.concatenate([src, loop])
    dst = jnp.concatenate([dst, loop])
    # fill_value=0.0 for self-loop edge attrs
    ea = jnp.concatenate([edge_attr, jnp.zeros((n, edge_attr.shape[1]), edge_attr.dtype)], axis=0)
    x_l = x @ Wl.T + bl  # lin_l (source transform)
    x_r = x @ Wr.T + br  # lin_r (target transform)
    e = x_l[src] + x_r[dst] + ea @ We.T
    e = jax.nn.leaky_relu(e, negative_slope=0.2)
    logit = (e * att).sum(-1)  # heads=1 flattened
    m = jax.ops.segment_max(logit, dst, num_segments=n)
    ex = jnp.exp(logit - m[dst])
    denom = jax.ops.segment_sum(ex, dst, num_segments=n)
    alpha = ex / (denom[dst] + 1e-16)
    msg = x_l[src] * alpha[:, None]
    out = jax.ops.segment_sum(msg, dst, num_segments=n)
    return out + gat_bias


def _pyg_layernorm_graph(x, w, b, eps=1e-5):
    # torch_geometric.nn.norm.LayerNorm, mode='graph', batch=None:
    # normalize over ALL nodes and channels of the (single) graph
    x = x - x.mean()
    out = x / (x.std() + eps)  # unbiased=False (ddof=0)
    return out * w + b


def reference(x, edge_index, edge_attr, Wl, bl, Wr, br, We, att, gat_bias,
              n1w, n1b, Wlin, blin, n2w, n2b):
    identity = x
    h = _gatv2(x, edge_index, edge_attr, Wl, bl, Wr, br, We, att, gat_bias)
    h = _pyg_layernorm_graph(h, n1w, n1b)
    h = jax.nn.relu(h)
    h = h @ Wlin.T + blin
    h = _pyg_layernorm_graph(h, n2w, n2b)
    h = h + identity
    return jax.nn.relu(h)

if __name__ == "__main__":
    import jax
    _d = setup_inputs()
    print(jax.jit(kernel)(*tuple(_d.values())))

</pallas_src>

<mosaic_0001>
#map = affine_map<(d0, d1) -> (0, 0)>
#map1 = affine_map<(d0, d1) -> (0)>
module attributes {stable_mosaic.version = 14 : i64} {
  func.func @k(%arg0: i32, %arg1: i32, %arg2: memref<10000x128xf32, #tpu.memory_space<hbm>>, %arg3: memref<10000x128xf32, #tpu.memory_space<hbm>>, %arg4: memref<320000xi32, #tpu.memory_space<hbm>>, %arg5: memref<320000xi32, #tpu.memory_space<hbm>>, %arg6: memref<320000x128xf32, #tpu.memory_space<hbm>>, %arg7: memref<320000x128xf32, #tpu.memory_space<hbm>>, %arg8: memref<128xi32, #tpu.memory_space<vmem>>, %arg9: memref<128xi32, #tpu.memory_space<vmem>>, %arg10: memref<128x128xf32, #tpu.memory_space<vmem>>, %arg11: memref<128x128xf32, #tpu.memory_space<vmem>>, %arg12: memref<!tpu.dma_semaphore, #tpu.memory_space<semaphore_mem>>, %arg13: memref<!tpu.dma_semaphore, #tpu.memory_space<semaphore_mem>>) attributes {dimension_semantics = [#tpu.dimension_semantics<core_parallel>, #tpu.dimension_semantics<subcore_parallel>], iteration_bounds = array<i64: 2, 16>, scalar_prefetch = 0 : i64, scratch_operands = 6 : i64, tpu.core_type = #tpu.core_type<sc_vector_subcore>, window_params = [{transform_indices = #map}, {transform_indices = #map}, {transform_indices = #map1}, {transform_indices = #map1}, {transform_indices = #map}, {transform_indices = #map}]} {
    %mul3A = arith.constant 2 : i32
    %mul3A_0 = arith.muli %arg1, %mul3A : i32
    %add3A = arith.addi %mul3A_0, %arg0 : i32
    %scan3A = arith.constant 0 : i32
    %scan3A_1 = arith.constant 79 : i32
    %scan3A_2 = arith.addi %scan3A, %scan3A_1 : i32
    %scan3A_3 = arith.constant 1 : i32
    scf.for %scan3A_5 = %scan3A to %scan3A_2 step %scan3A_3  : i32 {
      %mul3A_6 = arith.constant 1 : i32
      %mul3A_7 = arith.muli %scan3A_5, %mul3A_6 : i32
      %add3A_8 = arith.constant 0 : i32
      %add3A_9 = arith.addi %add3A_8, %mul3A_7 : i32
      %mul3A_10 = arith.constant 32 : i32
      %mul3A_11 = arith.muli %add3A_9, %mul3A_10 : i32
      %add3A_12 = arith.addi %mul3A_11, %add3A : i32
      %lt3A = arith.constant 2500 : i32
      %lt3A_13 = arith.cmpi slt, %add3A_12, %lt3A : i32
      %convert_element_type3A = arith.extui %lt3A_13 : i1 to i32
      %cond3A = arith.constant 0 : i32
      %cond3A_14 = arith.cmpi ne, %convert_element_type3A, %cond3A : i32
      scf.if %cond3A_14 {
        %mul3A_15 = arith.constant 128 : i32
        %mul3A_16 = arith.muli %add3A_12, %mul3A_15 : i32
        "tpu.region"() ({
          %run_scoped3A = tpu.sem_alloc : memref<!tpu.dma_semaphore, #tpu.memory_space<semaphore_mem>>
          %dma_start3A_27 = tpu.memref_slice %arg4[%mul3A_16] : memref<320000xi32, #tpu.memory_space<hbm>> -> memref<128xi32, #tpu.memory_space<hbm>>
          %dma_start3A_28 = tpu.memref_slice %arg4[%mul3A_16] : memref<320000xi32, #tpu.memory_space<hbm>> -> memref<128xi32, #tpu.memory_space<hbm>>
          tpu.enqueue_dma source(%dma_start3A_28 : memref<128xi32, #tpu.memory_space<hbm>>) target(%arg8 : memref<128xi32, #tpu.memory_space<vmem>>) target_semaphore(%run_scoped3A : memref<!tpu.dma_semaphore, #tpu.memory_space<semaphore_mem>>)
          %dma_wait3A_29 = tpu.memref_slice %arg4[%mul3A_16] : memref<320000xi32, #tpu.memory_space<hbm>> -> memref<128xi32, #tpu.memory_space<hbm>>
          %dma_wait3A_30 = tpu.memref_slice %arg4[%mul3A_16] : memref<320000xi32, #tpu.memory_space<hbm>> -> memref<128xi32, #tpu.memory_space<hbm>>
          tpu.wait_dma2 semaphore(%run_scoped3A : memref<!tpu.dma_semaphore, #tpu.memory_space<semaphore_mem>>) src(%dma_wait3A_30 : memref<128xi32, #tpu.memory_space<hbm>>) dst(%arg8 : memref<128xi32, #tpu.memory_space<vmem>>)
          tpu.yield
        }) : () -> ()
        "tpu.region"() ({
          %run_scoped3A = tpu.sem_alloc : memref<!tpu.dma_semaphore, #tpu.memory_space<semaphore_mem>>
          %dma_start3A_27 = tpu.memref_slice %arg5[%mul3A_16] : memref<320000xi32, #tpu.memory_space<hbm>> -> memref<128xi32, #tpu.memory_space<hbm>>
          %dma_start3A_28 = tpu.memref_slice %arg5[%mul3A_16] : memref<320000xi32, #tpu.memory_space<hbm>> -> memref<128xi32, #tpu.memory_space<hbm>>
          tpu.enqueue_dma source(%dma_start3A_28 : memref<128xi32, #tpu.memory_space<hbm>>) target(%arg9 : memref<128xi32, #tpu.memory_space<vmem>>) target_semaphore(%run_scoped3A : memref<!tpu.dma_semaphore, #tpu.memory_space<semaphore_mem>>)
          %dma_wait3A_29 = tpu.memref_slice %arg5[%mul3A_16] : memref<320000xi32, #tpu.memory_space<hbm>> -> memref<128xi32, #tpu.memory_space<hbm>>
          %dma_wait3A_30 = tpu.memref_slice %arg5[%mul3A_16] : memref<320000xi32, #tpu.memory_space<hbm>> -> memref<128xi32, #tpu.memory_space<hbm>>
          tpu.wait_dma2 semaphore(%run_scoped3A : memref<!tpu.dma_semaphore, #tpu.memory_space<semaphore_mem>>) src(%dma_wait3A_30 : memref<128xi32, #tpu.memory_space<hbm>>) dst(%arg9 : memref<128xi32, #tpu.memory_space<vmem>>)
          tpu.yield
        }) : () -> ()
        %dma_start3A = arith.constant 0 : i32
        %dma_start3A_17 = arith.constant 0 : i32
        %dma_start3A_18 = tpu.memref_slice %arg2[%dma_start3A, %dma_start3A_17] : memref<10000x128xf32, #tpu.memory_space<hbm>> -> memref<10000x128xf32, #tpu.memory_space<hbm>>
        tpu.enqueue_indirect_dma source(%dma_start3A_18 : memref<10000x128xf32, #tpu.memory_space<hbm>>) target(%arg10 : memref<128x128xf32, #tpu.memory_space<vmem>>) offsets(%arg8 : memref<128xi32, #tpu.memory_space<vmem>>) semaphore(%arg12 : memref<!tpu.dma_semaphore, #tpu.memory_space<semaphore_mem>>)
        %dma_start3A_19 = arith.constant 0 : i32
        %dma_start3A_20 = arith.constant 0 : i32
        %dma_start3A_21 = tpu.memref_slice %arg3[%dma_start3A_19, %dma_start3A_20] : memref<10000x128xf32, #tpu.memory_space<hbm>> -> memref<10000x128xf32, #tpu.memory_space<hbm>>
        tpu.enqueue_indirect_dma source(%dma_start3A_21 : memref<10000x128xf32, #tpu.memory_space<hbm>>) target(%arg11 : memref<128x128xf32, #tpu.memory_space<vmem>>) offsets(%arg9 : memref<128xi32, #tpu.memory_space<vmem>>) semaphore(%arg13 : memref<!tpu.dma_semaphore, #tpu.memory_space<semaphore_mem>>)
        %dma_wait3A = arith.constant 0 : i32
        %dma_wait3A_22 = arith.constant 0 : i32
        %dma_wait3A_23 = tpu.memref_slice %arg2[%dma_wait3A, %dma_wait3A_22] : memref<10000x128xf32, #tpu.memory_space<hbm>> -> memref<10000x128xf32, #tpu.memory_space<hbm>>
        tpu.wait_indirect_dma semaphore(%arg12 : memref<!tpu.dma_semaphore, #tpu.memory_space<semaphore_mem>>) src(%dma_wait3A_23 : memref<10000x128xf32, #tpu.memory_space<hbm>>) dst(%arg10 : memref<128x128xf32, #tpu.memory_space<vmem>>)
        %dma_wait3A_24 = arith.constant 0 : i32
        %dma_wait3A_25 = arith.constant 0 : i32
        %dma_wait3A_26 = tpu.memref_slice %arg3[%dma_wait3A_24, %dma_wait3A_25] : memref<10000x128xf32, #tpu.memory_space<hbm>> -> memref<10000x128xf32, #tpu.memory_space<hbm>>
        tpu.wait_indirect_dma semaphore(%arg13 : memref<!tpu.dma_semaphore, #tpu.memory_space<semaphore_mem>>) src(%dma_wait3A_26 : memref<10000x128xf32, #tpu.memory_space<hbm>>) dst(%arg11 : memref<128x128xf32, #tpu.memory_space<vmem>>)
        "tpu.region"() ({
          %run_scoped3A = tpu.sem_alloc : memref<!tpu.dma_semaphore, #tpu.memory_space<semaphore_mem>>
          %dma_start3A_27 = arith.constant 0 : i32
          %dma_start3A_28 = tpu.memref_slice %arg6[%mul3A_16, %dma_start3A_27] : memref<320000x128xf32, #tpu.memory_space<hbm>> -> memref<128x128xf32, #tpu.memory_space<hbm>>
          %dma_start3A_29 = arith.constant 0 : i32
          %dma_start3A_30 = tpu.memref_slice %arg6[%mul3A_16, %dma_start3A_29] : memref<320000x128xf32, #tpu.memory_space<hbm>> -> memref<128x128xf32, #tpu.memory_space<hbm>>
          tpu.enqueue_dma source(%arg10 : memref<128x128xf32, #tpu.memory_space<vmem>>) target(%dma_start3A_30 : memref<128x128xf32, #tpu.memory_space<hbm>>) target_semaphore(%run_scoped3A : memref<!tpu.dma_semaphore, #tpu.memory_space<semaphore_mem>>)
          %dma_wait3A_31 = arith.constant 0 : i32
          %dma_wait3A_32 = tpu.memref_slice %arg6[%mul3A_16, %dma_wait3A_31] : memref<320000x128xf32, #tpu.memory_space<hbm>> -> memref<128x128xf32, #tpu.memory_space<hbm>>
          %dma_wait3A_33 = arith.constant 0 : i32
          %dma_wait3A_34 = tpu.memref_slice %arg6[%mul3A_16, %dma_wait3A_33] : memref<320000x128xf32, #tpu.memory_space<hbm>> -> memref<128x128xf32, #tpu.memory_space<hbm>>
          tpu.wait_dma2 semaphore(%run_scoped3A : memref<!tpu.dma_semaphore, #tpu.memory_space<semaphore_mem>>) src(%arg10 : memref<128x128xf32, #tpu.memory_space<vmem>>) dst(%dma_wait3A_34 : memref<128x128xf32, #tpu.memory_space<hbm>>)
          tpu.yield
        }) : () -> ()
        "tpu.region"() ({
          %run_scoped3A = tpu.sem_alloc : memref<!tpu.dma_semaphore, #tpu.memory_space<semaphore_mem>>
          %dma_start3A_27 = arith.constant 0 : i32
          %dma_start3A_28 = tpu.memref_slice %arg7[%mul3A_16, %dma_start3A_27] : memref<320000x128xf32, #tpu.memory_space<hbm>> -> memref<128x128xf32, #tpu.memory_space<hbm>>
          %dma_start3A_29 = arith.constant 0 : i32
          %dma_start3A_30 = tpu.memref_slice %arg7[%mul3A_16, %dma_start3A_29] : memref<320000x128xf32, #tpu.memory_space<hbm>> -> memref<128x128xf32, #tpu.memory_space<hbm>>
          tpu.enqueue_dma source(%arg11 : memref<128x128xf32, #tpu.memory_space<vmem>>) target(%dma_start3A_30 : memref<128x128xf32, #tpu.memory_space<hbm>>) target_semaphore(%run_scoped3A : memref<!tpu.dma_semaphore, #tpu.memory_space<semaphore_mem>>)
          %dma_wait3A_31 = arith.constant 0 : i32
          %dma_wait3A_32 = tpu.memref_slice %arg7[%mul3A_16, %dma_wait3A_31] : memref<320000x128xf32, #tpu.memory_space<hbm>> -> memref<128x128xf32, #tpu.memory_space<hbm>>
          %dma_wait3A_33 = arith.constant 0 : i32
          %dma_wait3A_34 = tpu.memref_slice %arg7[%mul3A_16, %dma_wait3A_33] : memref<320000x128xf32, #tpu.memory_space<hbm>> -> memref<128x128xf32, #tpu.memory_space<hbm>>
          tpu.wait_dma2 semaphore(%run_scoped3A : memref<!tpu.dma_semaphore, #tpu.memory_space<semaphore_mem>>) src(%arg11 : memref<128x128xf32, #tpu.memory_space<vmem>>) dst(%dma_wait3A_34 : memref<128x128xf32, #tpu.memory_space<hbm>>)
          tpu.yield
        }) : () -> ()
      } else {
      }
    }
    %scan3A_4 = arith.constant 79 : i32
    return
  }
}

module attributes {stable_mosaic.version = 14 : i64} {
  func.func @_s1_body(%arg0: i32, %arg1: memref<1000x128xf32, #tpu.memory_space<vmem>>, %arg2: memref<128x128xf32, #tpu.memory_space<vmem>>, %arg3: memref<1x128xf32, #tpu.memory_space<vmem>>, %arg4: memref<128x128xf32, #tpu.memory_space<vmem>>, %arg5: memref<1x128xf32, #tpu.memory_space<vmem>>, %arg6: memref<1000x128xf32, #tpu.memory_space<vmem>>, %arg7: memref<1000x128xf32, #tpu.memory_space<vmem>>) attributes {dimension_semantics = [#tpu.dimension_semantics<arbitrary>], iteration_bounds = array<i64: 10>, scalar_prefetch = 0 : i64, scratch_operands = 0 : i64, tpu.core_type = #tpu.core_type<tc>, window_params = [{transform_indices = @transform_0, window_bounds = array<i64: 1000, 128>}, {pipeline_mode = #tpu.pipeline_mode<synchronous>, transform_indices = @transform_1, window_bounds = array<i64: 128, 128>}, {pipeline_mode = #tpu.pipeline_mode<synchronous>, transform_indices = @transform_2, window_bounds = array<i64: 1, 128>}, {pipeline_mode = #tpu.pipeline_mode<synchronous>, transform_indices = @transform_3, window_bounds = array<i64: 128, 128>}, {pipeline_mode = #tpu.pipeline_mode<synchronous>, transform_indices = @transform_4, window_bounds = array<i64: 1, 128>}, {transform_indices = @transform_5, window_bounds = array<i64: 1000, 128>}, {transform_indices = @transform_6, window_bounds = array<i64: 1000, 128>}]} {
    %get3A = arith.constant 0 : index
    %get3A_0 = arith.constant 0 : index
    %get3A_1 = vector.load %arg1[%get3A, %get3A_0] : memref<1000x128xf32, #tpu.memory_space<vmem>>, vector<1000x128xf32>
    %get3A_2 = arith.constant 0 : index
    %get3A_3 = arith.constant 0 : index
    %get3A_4 = vector.load %arg2[%get3A_2, %get3A_3] : memref<128x128xf32, #tpu.memory_space<vmem>>, vector<128x128xf32>
    %dot_general3A = arith.constant dense<0.000000e+00> : vector<1000x128xf32>
    %dot_general3A_5 = tpu.matmul %get3A_1, %get3A_4, %dot_general3A {dimension_numbers = #tpu.dot_dimension_numbers<[1], [1], [0], [0], [0, 0, 1, 0], [], []>, transpose_lhs_hint = false} : vector<1000x128xf32>, vector<128x128xf32>, vector<1000x128xf32> -> vector<1000x128xf32>
    %get3A_6 = arith.constant 0 : index
    %get3A_7 = arith.constant 0 : index
    %get3A_8 = vector.load %arg3[%get3A_6, %get3A_7] : memref<1x128xf32, #tpu.memory_space<vmem>>, vector<1x128xf32>
    %add3A = vector.broadcast %get3A_8 : vector<1x128xf32> to vector<1000x128xf32>
    %add3A_9 = arith.addf %dot_general3A_5, %add3A : vector<1000x128xf32>
    %swap3A = arith.constant 0 : index
    %swap3A_10 = arith.constant 0 : index
    %swap3A_11 = vector.load %arg6[%swap3A, %swap3A_10] : memref<1000x128xf32, #tpu.memory_space<vmem>>, vector<1000x128xf32>
    tpu.vector_store %arg6[%swap3A, %swap3A_10], %add3A_9 {strides = array<i32>} : memref<1000x128xf32, #tpu.memory_space<vmem>>, vector<1000x128xf32>,
    %get3A_12 = arith.constant 0 : index
    %get3A_13 = arith.constant 0 : index
    %get3A_14 = vector.load %arg4[%get3A_12, %get3A_13] : memref<128x128xf32, #tpu.memory_space<vmem>>, vector<128x128xf32>
    %dot_general3A_15 = arith.constant dense<0.000000e+00> : vector<1000x128xf32>
    %dot_general3A_16 = tpu.matmul %get3A_1, %get3A_14, %dot_general3A_15 {dimension_numbers = #tpu.dot_dimension_numbers<[1], [1], [0], [0], [0, 0, 1, 0], [], []>, transpose_lhs_hint = false} : vector<1000x128xf32>, vector<128x128xf32>, vector<1000x128xf32> -> vector<1000x128xf32>
    %get3A_17 = arith.constant 0 : index
    %get3A_18 = arith.constant 0 : index
    %get3A_19 = vector.load %arg5[%get3A_17, %get3A_18] : memref<1x128xf32, #tpu.memory_space<vmem>>, vector<1x128xf32>
    %add3A_20 = vector.broadcast %get3A_19 : vector<1x128xf32> to vector<1000x128xf32>
    %add3A_21 = arith.addf %dot_general3A_16, %add3A_20 : vector<1000x128xf32>
    %swap3A_22 = arith.constant 0 : index
    %swap3A_23 = arith.constant 0 : index
    %swap3A_24 = vector.load %arg7[%swap3A_22, %swap3A_23] : memref<1000x128xf32, #tpu.memory_space<vmem>>, vector<1000x128xf32>
    tpu.vector_store %arg7[%swap3A_22, %swap3A_23], %add3A_21 {strides = array<i32>} : memref<1000x128xf32, #tpu.memory_space<vmem>>, vector<1000x128xf32>,
    return
  }
  func.func @transform_0(%arg0: i32) -> (i32, i32) {
    %c0_i32 = arith.constant 0 : i32
    %c0_i32_0 = arith.constant 0 : i32
    return %arg0, %c0_i32 : i32, i32
  }
  func.func @transform_1(%arg0: i32) -> (i32, i32) {
    %c0_i32 = arith.constant 0 : i32
    %c0_i32_0 = arith.constant 0 : i32
    %c0_i32_1 = arith.constant 0 : i32
    return %c0_i32, %c0_i32_0 : i32, i32
  }
  func.func @transform_2(%arg0: i32) -> (i32, i32) {
    %c0_i32 = arith.constant 0 : i32
    %c0_i32_0 = arith.constant 0 : i32
    %c0_i32_1 = arith.constant 0 : i32
    return %c0_i32, %c0_i32_0 : i32, i32
  }
  func.func @transform_3(%arg0: i32) -> (i32, i32) {
    %c0_i32 = arith.constant 0 : i32
    %c0_i32_0 = arith.constant 0 : i32
    %c0_i32_1 = arith.constant 0 : i32
    return %c0_i32, %c0_i32_0 : i32, i32
  }
  func.func @transform_4(%arg0: i32) -> (i32, i32) {
    %c0_i32 = arith.constant 0 : i32
    %c0_i32_0 = arith.constant 0 : i32
    %c0_i32_1 = arith.constant 0 : i32
    return %c0_i32, %c0_i32_0 : i32, i32
  }
  func.func @transform_5(%arg0: i32) -> (i32, i32) {
    %c0_i32 = arith.constant 0 : i32
    %c0_i32_0 = arith.constant 0 : i32
    return %arg0, %c0_i32 : i32, i32
  }
  func.func @transform_6(%arg0: i32) -> (i32, i32) {
    %c0_i32 = arith.constant 0 : i32
    %c0_i32_0 = arith.constant 0 : i32
    return %arg0, %c0_i32 : i32, i32
  }
}

module attributes {stable_mosaic.version = 14 : i64} {
  func.func @_s3_body(%arg0: i32, %arg1: memref<4000x128xf32, #tpu.memory_space<vmem>>, %arg2: memref<4000x128xf32, #tpu.memory_space<vmem>>, %arg3: memref<4000x16xf32, #tpu.memory_space<vmem>>, %arg4: memref<128x16xf32, #tpu.memory_space<vmem>>, %arg5: memref<1x128xf32, #tpu.memory_space<vmem>>, %arg6: memref<4000x144xf32, #tpu.memory_space<vmem>>) attributes {dimension_semantics = [#tpu.dimension_semantics<arbitrary>], iteration_bounds = array<i64: 80>, scalar_prefetch = 0 : i64, scratch_operands = 0 : i64, tpu.core_type = #tpu.core_type<tc>, window_params = [{transform_indices = @transform_0, window_bounds = array<i64: 4000, 128>}, {transform_indices = @transform_1, window_bounds = array<i64: 4000, 128>}, {transform_indices = @transform_2, window_bounds = array<i64: 4000, 16>}, {pipeline_mode = #tpu.pipeline_mode<synchronous>, transform_indices = @transform_3, window_bounds = array<i64: 128, 16>}, {pipeline_mode = #tpu.pipeline_mode<synchronous>, transform_indices = @transform_4, window_bounds = array<i64: 1, 128>}, {transform_indices = @transform_5, window_bounds = array<i64: 4000, 144>}]} {
    %get3A = arith.constant 0 : index
    %get3A_0 = arith.constant 0 : index
    %get3A_1 = vector.load %arg1[%get3A, %get3A_0] : memref<4000x128xf32, #tpu.memory_space<vmem>>, vector<4000x128xf32>
    %get3A_2 = arith.constant 0 : index
    %get3A_3 = arith.constant 0 : index
    %get3A_4 = vector.load %arg2[%get3A_2, %get3A_3] : memref<4000x128xf32, #tpu.memory_space<vmem>>, vector<4000x128xf32>
    %add3A = arith.addf %get3A_1, %get3A_4 : vector<4000x128xf32>
    %get3A_5 = arith.constant 0 : index
    %get3A_6 = arith.constant 0 : index
    %get3A_7 = vector.load %arg3[%get3A_5, %get3A_6] : memref<4000x16xf32, #tpu.memory_space<vmem>>, vector<4000x16xf32>
    %get3A_8 = arith.constant 0 : index
    %get3A_9 = arith.constant 0 : index
    %get3A_10 = vector.load %arg4[%get3A_8, %get3A_9] : memref<128x16xf32, #tpu.memory_space<vmem>>, vector<128x16xf32>
    %dot_general3A = arith.constant dense<0.000000e+00> : vector<4000x128xf32>
    %dot_general3A_11 = tpu.matmul %get3A_7, %get3A_10, %dot_general3A {dimension_numbers = #tpu.dot_dimension_numbers<[1], [1], [0], [0], [0, 0, 1, 0], [], []>, transpose_lhs_hint = false} : vector<4000x16xf32>, vector<128x16xf32>, vector<4000x128xf32> -> vector<4000x128xf32>
    %add3A_12 = arith.addf %add3A, %dot_general3A_11 : vector<4000x128xf32>
    %gt3A = arith.constant 0.000000e+00 : f32
    %gt3A_13 = vector.broadcast %gt3A : f32 to vector<4000x128xf32>
    %gt3A_14 = arith.cmpf ogt, %add3A_12, %gt3A_13 : vector<4000x128xf32>
    %mul3A = arith.constant 2.000000e-01 : f32
    %mul3A_15 = vector.broadcast %mul3A : f32 to vector<4000x128xf32>
    %mul3A_16 = arith.mulf %mul3A_15, %add3A_12 : vector<4000x128xf32>
    %select_n3A = arith.select %gt3A_14, %add3A_12, %mul3A_16 : vector<4000x128xi1>, vector<4000x128xf32>
    %get3A_17 = arith.constant 0 : index
    %get3A_18 = arith.constant 0 : index
    %get3A_19 = vector.load %arg5[%get3A_17, %get3A_18] : memref<1x128xf32, #tpu.memory_space<vmem>>, vector<1x128xf32>
    %mul3A_20 = vector.broadcast %get3A_19 : vector<1x128xf32> to vector<4000x128xf32>
    %mul3A_21 = arith.mulf %select_n3A, %mul3A_20 : vector<4000x128xf32>
    %reduce_sum3A = arith.constant dense<0.000000e+00> : vector<4000xf32>
    %reduce_sum3A_22 = vector.multi_reduction <add>, %mul3A_21, %reduce_sum3A [1] : vector<4000x128xf32> to vector<4000xf32>
    %broadcast_in_dim3A = vector.shape_cast %reduce_sum3A_22 : vector<4000xf32> to vector<4000x1xf32>
    %exp3A = math.exp %broadcast_in_dim3A : vector<4000x1xf32>
    %iota3A = tpu.iota {dimensions = array<i32: 1>} : vector<4000x16xi32>
    %eq3A = arith.constant 0 : i32
    %eq3A_23 = vector.broadcast %eq3A : i32 to vector<4000x16xi32>
    %eq3A_24 = arith.cmpi eq, %iota3A, %eq3A_23 : vector<4000x16xi32>
    %jit3A = arith.constant 0.000000e+00 : f32
    %broadcast_in_dim3A_25 = vector.shape_cast %exp3A : vector<4000x1xf32> to vector<4000x1xf32>
    %broadcast_in_dim3A_26 = vector.broadcast %broadcast_in_dim3A_25 : vector<4000x1xf32> to vector<4000x16xf32>
    %broadcast_in_dim3A_27 = vector.broadcast %jit3A : f32 to vector<4000x16xf32>
    %select_n3A_28 = arith.select %eq3A_24, %broadcast_in_dim3A_26, %broadcast_in_dim3A_27 : vector<4000x16xi1>, vector<4000x16xf32>
    %mul3A_29 = vector.broadcast %exp3A : vector<4000x1xf32> to vector<4000x128xf32>
    %mul3A_30 = arith.mulf %get3A_1, %mul3A_29 : vector<4000x128xf32>
    %concatenate3A = tpu.concatenate %mul3A_30, %select_n3A_28 in 1 : vector<4000x128xf32>, vector<4000x16xf32> -> vector<4000x144xf32>
    %swap3A = arith.constant 0 : index
    %swap3A_31 = arith.constant 0 : index
    %swap3A_32 = vector.load %arg6[%swap3A, %swap3A_31] : memref<4000x144xf32, #tpu.memory_space<vmem>>, vector<4000x144xf32>
    tpu.vector_store %arg6[%swap3A, %swap3A_31], %concatenate3A {strides = array<i32>} : memref<4000x144xf32, #tpu.memory_space<vmem>>, vector<4000x144xf32>,
    return
  }
  func.func @transform_0(%arg0: i32) -> (i32, i32) {
    %c0_i32 = arith.constant 0 : i32
    %c0_i32_0 = arith.constant 0 : i32
    return %arg0, %c0_i32 : i32, i32
  }
  func.func @transform_1(%arg0: i32) -> (i32, i32) {
    %c0_i32 = arith.constant 0 : i32
    %c0_i32_0 = arith.constant 0 : i32
    return %arg0, %c0_i32 : i32, i32
  }
  func.func @transform_2(%arg0: i32) -> (i32, i32) {
    %c0_i32 = arith.constant 0 : i32
    %c0_i32_0 = arith.constant 0 : i32
    return %arg0, %c0_i32 : i32, i32
  }
  func.func @transform_3(%arg0: i32) -> (i32, i32) {
    %c0_i32 = arith.constant 0 : i32
    %c0_i32_0 = arith.constant 0 : i32
    %c0_i32_1 = arith.constant 0 : i32
    return %c0_i32, %c0_i32_0 : i32, i32
  }
  func.func @transform_4(%arg0: i32) -> (i32, i32) {
    %c0_i32 = arith.constant 0 : i32
    %c0_i32_0 = arith.constant 0 : i32
    %c0_i32_1 = arith.constant 0 : i32
    return %c0_i32, %c0_i32_0 : i32, i32
  }
  func.func @transform_5(%arg0: i32) -> (i32, i32) {
    %c0_i32 = arith.constant 0 : i32
    %c0_i32_0 = arith.constant 0 : i32
    return %arg0, %c0_i32 : i32, i32
  }
}

module attributes {stable_mosaic.version = 14 : i64} {
  func.func @_s4tc_body(%arg0: i32, %arg1: memref<1x1x4000xi32, #tpu.memory_space<vmem>>, %arg2: memref<4000x144xf32, #tpu.memory_space<vmem>>, %arg3: memref<10240x144xf32, #tpu.memory_space<vmem>>, %arg4: memref<10240x144xf32, #tpu.memory_space<vmem>>) attributes {dimension_semantics = [#tpu.dimension_semantics<arbitrary>], iteration_bounds = array<i64: 80>, scalar_prefetch = 0 : i64, scratch_operands = 1 : i64, tpu.core_type = #tpu.core_type<tc>, window_params = [{transform_indices = @transform_0, window_bounds = array<i64: 1, 1, 4000>}, {transform_indices = @transform_1, window_bounds = array<i64: 4000, 144>}, {pipeline_mode = #tpu.pipeline_mode<synchronous>, transform_indices = @transform_2, window_bounds = array<i64: 10240, 144>}]} {
    %eq3A = arith.constant 0 : i32
    %eq3A_0 = arith.cmpi eq, %arg0, %eq3A : i32
    %convert_element_type3A = arith.extui %eq3A_0 : i1 to i32
    %cond3A = arith.constant 0 : i32
    %cond3A_1 = arith.cmpi ne, %convert_element_type3A, %cond3A : i32
    scf.if %cond3A_1 {
      %broadcast_in_dim3A_218 = arith.constant 0.000000e+00 : f32
      %broadcast_in_dim3A_219 = vector.broadcast %broadcast_in_dim3A_218 : f32 to vector<10240x144xf32>
      %swap3A_220 = arith.constant 0 : index
      %swap3A_221 = arith.constant 0 : index
      %swap3A_222 = vector.load %arg4[%swap3A_220, %swap3A_221] : memref<10240x144xf32, #tpu.memory_space<vmem>>, vector<10240x144xf32>
      tpu.vector_store %arg4[%swap3A_220, %swap3A_221], %broadcast_in_dim3A_219 {strides = array<i32>} : memref<10240x144xf32, #tpu.memory_space<vmem>>, vector<10240x144xf32>,
    } else {
    }
    %get3A = arith.constant 0 : index
    %get3A_2 = arith.constant 0 : index
    %get3A_3 = arith.constant 0 : index
    %get3A_4 = vector.load %arg1[%get3A, %get3A_2, %get3A_3] : memref<1x1x4000xi32, #tpu.memory_space<vmem>>, vector<1x1x4000xi32>
    %get3A_5 = vector.shape_cast %get3A_4 : vector<1x1x4000xi32> to vector<4000xi32>
    %get3A_6 = arith.constant 0 : index
    %get3A_7 = arith.constant 0 : index
    %get3A_8 = vector.load %arg2[%get3A_6, %get3A_7] : memref<4000x144xf32, #tpu.memory_space<vmem>>, vector<4000x144xf32>
    %convert_element_type3A_9 = arith.truncf %get3A_8 : vector<4000x144xf32> to vector<4000x144xbf16>
    %iota3A = tpu.iota {dimensions = array<i32: 0>} : vector<1024x4000xi32>
    %sub3A = arith.constant 0 : i32
    %sub3A_10 = vector.broadcast %sub3A : i32 to vector<4000xi32>
    %sub3A_11 = arith.subi %get3A_5, %sub3A_10 : vector<4000xi32>
    %broadcast_in_dim3A = vector.shape_cast %sub3A_11 : vector<4000xi32> to vector<1x4000xi32>
    %eq3A_12 = vector.broadcast %broadcast_in_dim3A : vector<1x4000xi32> to vector<1024x4000xi32>
    %eq3A_13 = arith.cmpi eq, %iota3A, %eq3A_12 : vector<1024x4000xi32>
    %jit3A = arith.constant 1.000000e+00 : f32
    %jit3A_14 = arith.constant 0.000000e+00 : f32
    %broadcast_in_dim3A_15 = vector.broadcast %jit3A : f32 to vector<1024x4000xf32>
    %broadcast_in_dim3A_16 = vector.broadcast %jit3A_14 : f32 to vector<1024x4000xf32>
    %select_n3A = arith.select %eq3A_13, %broadcast_in_dim3A_15, %broadcast_in_dim3A_16 : vector<1024x4000xi1>, vector<1024x4000xf32>
    %convert_element_type3A_17 = arith.truncf %select_n3A : vector<1024x4000xf32> to vector<1024x4000xbf16>
    %get3A_18 = arith.constant 0 : index
    %get3A_19 = arith.constant 0 : index
    %get3A_20 = vector.load %arg4[%get3A_18, %get3A_19] : memref<10240x144xf32, #tpu.memory_space<vmem>>, vector<1024x144xf32>
    %dot_general3A = arith.constant dense<0.000000e+00> : vector<1024x144xf32>
    %dot_general3A_21 = tpu.matmul %convert_element_type3A_17, %convert_element_type3A_9, %dot_general3A {dimension_numbers = #tpu.dot_dimension_numbers<[1], [0], [0], [1], [0, 0, 1, 1], [], []>, transpose_lhs_hint = false} : vector<1024x4000xbf16>, vector<4000x144xbf16>, vector<1024x144xf32> -> vector<1024x144xf32>
    %add3A = arith.addf %get3A_20, %dot_general3A_21 : vector<1024x144xf32>
    %swap3A = arith.constant 0 : index
    %swap3A_22 = arith.constant 0 : index
    %swap3A_23 = vector.load %arg4[%swap3A, %swap3A_22] : memref<10240x144xf32, #tpu.memory_space<vmem>>, vector<1024x144xf32>
    tpu.vector_store %arg4[%swap3A, %swap3A_22], %add3A {strides = array<i32>} : memref<10240x144xf32, #tpu.memory_space<vmem>>, vector<1024x144xf32>,
    %sub3A_24 = arith.constant 1024 : i32
    %sub3A_25 = vector.broadcast %sub3A_24 : i32 to vector<4000xi32>
    %sub3A_26 = arith.subi %get3A_5, %sub3A_25 : vector<4000xi32>
    %broadcast_in_dim3A_27 = vector.shape_cast %sub3A_26 : vector<4000xi32> to vector<1x4000xi32>
    %eq3A_28 = vector.broadcast %broadcast_in_dim3A_27 : vector<1x4000xi32> to vector<1024x4000xi32>
    %eq3A_29 = arith.cmpi eq, %iota3A, %eq3A_28 : vector<1024x4000xi32>
    %jit3A_30 = arith.constant 1.000000e+00 : f32
    %jit3A_31 = arith.constant 0.000000e+00 : f32
    %broadcast_in_dim3A_32 = vector.broadcast %jit3A_30 : f32 to vector<1024x4000xf32>
    %broadcast_in_dim3A_33 = vector.broadcast %jit3A_31 : f32 to vector<1024x4000xf32>
    %select_n3A_34 = arith.select %eq3A_29, %broadcast_in_dim3A_32, %broadcast_in_dim3A_33 : vector<1024x4000xi1>, vector<1024x4000xf32>
    %convert_element_type3A_35 = arith.truncf %select_n3A_34 : vector<1024x4000xf32> to vector<1024x4000xbf16>
    %get3A_36 = arith.constant 1024 : index
    %get3A_37 = arith.constant 0 : index
    %get3A_38 = vector.load %arg4[%get3A_36, %get3A_37] : memref<10240x144xf32, #tpu.memory_space<vmem>>, vector<1024x144xf32>
    %dot_general3A_39 = arith.constant dense<0.000000e+00> : vector<1024x144xf32>
    %dot_general3A_40 = tpu.matmul %convert_element_type3A_35, %convert_element_type3A_9, %dot_general3A_39 {dimension_numbers = #tpu.dot_dimension_numbers<[1], [0], [0], [1], [0, 0, 1, 1], [], []>, transpose_lhs_hint = false} : vector<1024x4000xbf16>, vector<4000x144xbf16>, vector<1024x144xf32> -> vector<1024x144xf32>
    %add3A_41 = arith.addf %get3A_38, %dot_general3A_40 : vector<1024x144xf32>
    %swap3A_42 = arith.constant 1024 : index
    %swap3A_43 = arith.constant 0 : index
    %swap3A_44 = vector.load %arg4[%swap3A_42, %swap3A_43] : memref<10240x144xf32, #tpu.memory_space<vmem>>, vector<1024x144xf32>
    tpu.vector_store %arg4[%swap3A_42, %swap3A_43], %add3A_41 {strides = array<i32>} : memref<10240x144xf32, #tpu.memory_space<vmem>>, vector<1024x144xf32>,
    %sub3A_45 = arith.constant 2048 : i32
    %sub3A_46 = vector.broadcast %sub3A_45 : i32 to vector<4000xi32>
    %sub3A_47 = arith.subi %get3A_5, %sub3A_46 : vector<4000xi32>
    %broadcast_in_dim3A_48 = vector.shape_cast %sub3A_47 : vector<4000xi32> to vector<1x4000xi32>
    %eq3A_49 = vector.broadcast %broadcast_in_dim3A_48 : vector<1x4000xi32> to vector<1024x4000xi32>
    %eq3A_50 = arith.cmpi eq, %iota3A, %eq3A_49 : vector<1024x4000xi32>
    %jit3A_51 = arith.constant 1.000000e+00 : f32
    %jit3A_52 = arith.constant 0.000000e+00 : f32
    %broadcast_in_dim3A_53 = vector.broadcast %jit3A_51 : f32 to vector<1024x4000xf32>
    %broadcast_in_dim3A_54 = vector.broadcast %jit3A_52 : f32 to vector<1024x4000xf32>
    %select_n3A_55 = arith.select %eq3A_50, %broadcast_in_dim3A_53, %broadcast_in_dim3A_54 : vector<1024x4000xi1>, vector<1024x4000xf32>
    %convert_element_type3A_56 = arith.truncf %select_n3A_55 : vector<1024x4000xf32> to vector<1024x4000xbf16>
    %get3A_57 = arith.constant 2048 : index
    %get3A_58 = arith.constant 0 : index
    %get3A_59 = vector.load %arg4[%get3A_57, %get3A_58] : memref<10240x144xf32, #tpu.memory_space<vmem>>, vector<1024x144xf32>
    %dot_general3A_60 = arith.constant dense<0.000000e+00> : vector<1024x144xf32>
    %dot_general3A_61 = tpu.matmul %convert_element_type3A_56, %convert_element_type3A_9, %dot_general3A_60 {dimension_numbers = #tpu.dot_dimension_numbers<[1], [0], [0], [1], [0, 0, 1, 1], [], []>, transpose_lhs_hint = false} : vector<1024x4000xbf16>, vector<4000x144xbf16>, vector<1024x144xf32> -> vector<1024x144xf32>
    %add3A_62 = arith.addf %get3A_59, %dot_general3A_61 : vector<1024x144xf32>
    %swap3A_63 = arith.constant 2048 : index
    %swap3A_64 = arith.constant 0 : index
    %swap3A_65 = vector.load %arg4[%swap3A_63, %swap3A_64] : memref<10240x144xf32, #tpu.memory_space<vmem>>, vector<1024x144xf32>
    tpu.vector_store %arg4[%swap3A_63, %swap3A_64], %add3A_62 {strides = array<i32>} : memref<10240x144xf32, #tpu.memory_space<vmem>>, vector<1024x144xf32>,
    %sub3A_66 = arith.constant 3072 : i32
    %sub3A_67 = vector.broadcast %sub3A_66 : i32 to vector<4000xi32>
    %sub3A_68 = arith.subi %get3A_5, %sub3A_67 : vector<4000xi32>
    %broadcast_in_dim3A_69 = vector.shape_cast %sub3A_68 : vector<4000xi32> to vector<1x4000xi32>
    %eq3A_70 = vector.broadcast %broadcast_in_dim3A_69 : vector<1x4000xi32> to vector<1024x4000xi32>
    %eq3A_71 = arith.cmpi eq, %iota3A, %eq3A_70 : vector<1024x4000xi32>
    %jit3A_72 = arith.constant 1.000000e+00 : f32
    %jit3A_73 = arith.constant 0.000000e+00 : f32
    %broadcast_in_dim3A_74 = vector.broadcast %jit3A_72 : f32 to vector<1024x4000xf32>
    %broadcast_in_dim3A_75 = vector.broadcast %jit3A_73 : f32 to vector<1024x4000xf32>
    %select_n3A_76 = arith.select %eq3A_71, %broadcast_in_dim3A_74, %broadcast_in_dim3A_75 : vector<1024x4000xi1>, vector<1024x4000xf32>
    %convert_element_type3A_77 = arith.truncf %select_n3A_76 : vector<1024x4000xf32> to vector<1024x4000xbf16>
    %get3A_78 = arith.constant 3072 : index
    %get3A_79 = arith.constant 0 : index
    %get3A_80 = vector.load %arg4[%get3A_78, %get3A_79] : memref<10240x144xf32, #tpu.memory_space<vmem>>, vector<1024x144xf32>
    %dot_general3A_81 = arith.constant dense<0.000000e+00> : vector<1024x144xf32>
    %dot_general3A_82 = tpu.matmul %convert_element_type3A_77, %convert_element_type3A_9, %dot_general3A_81 {dimension_numbers = #tpu.dot_dimension_numbers<[1], [0], [0], [1], [0, 0, 1, 1], [], []>, transpose_lhs_hint = false} : vector<1024x4000xbf16>, vector<4000x144xbf16>, vector<1024x144xf32> -> vector<1024x144xf32>
    %add3A_83 = arith.addf %get3A_80, %dot_general3A_82 : vector<1024x144xf32>
    %swap3A_84 = arith.constant 3072 : index
    %swap3A_85 = arith.constant 0 : index
    %swap3A_86 = vector.load %arg4[%swap3A_84, %swap3A_85] : memref<10240x144xf32, #tpu.memory_space<vmem>>, vector<1024x144xf32>
    tpu.vector_store %arg4[%swap3A_84, %swap3A_85], %add3A_83 {strides = array<i32>} : memref<10240x144xf32, #tpu.memory_space<vmem>>, vector<1024x144xf32>,
    %sub3A_87 = arith.constant 4096 : i32
    %sub3A_88 = vector.broadcast %sub3A_87 : i32 to vector<4000xi32>
    %sub3A_89 = arith.subi %get3A_5, %sub3A_88 : vector<4000xi32>
    %broadcast_in_dim3A_90 = vector.shape_cast %sub3A_89 : vector<4000xi32> to vector<1x4000xi32>
    %eq3A_91 = vector.broadcast %broadcast_in_dim3A_90 : vector<1x4000xi32> to vector<1024x4000xi32>
    %eq3A_92 = arith.cmpi eq, %iota3A, %eq3A_91 : vector<1024x4000xi32>
    %jit3A_93 = arith.constant 1.000000e+00 : f32
    %jit3A_94 = arith.constant 0.000000e+00 : f32
    %broadcast_in_dim3A_95 = vector.broadcast %jit3A_93 : f32 to vector<1024x4000xf32>
    %broadcast_in_dim3A_96 = vector.broadcast %jit3A_94 : f32 to vector<1024x4000xf32>
    %select_n3A_97 = arith.select %eq3A_92, %broadcast_in_dim3A_95, %broadcast_in_dim3A_96 : vector<1024x4000xi1>, vector<1024x4000xf32>
    %convert_element_type3A_98 = arith.truncf %select_n3A_97 : vector<1024x4000xf32> to vector<1024x4000xbf16>
    %get3A_99 = arith.constant 4096 : index
    %get3A_100 = arith.constant 0 : index
    %get3A_101 = vector.load %arg4[%get3A_99, %get3A_100] : memref<10240x144xf32, #tpu.memory_space<vmem>>, vector<1024x144xf32>
    %dot_general3A_102 = arith.constant dense<0.000000e+00> : vector<1024x144xf32>
    %dot_general3A_103 = tpu.matmul %convert_element_type3A_98, %convert_element_type3A_9, %dot_general3A_102 {dimension_numbers = #tpu.dot_dimension_numbers<[1], [0], [0], [1], [0, 0, 1, 1], [], []>, transpose_lhs_hint = false} : vector<1024x4000xbf16>, vector<4000x144xbf16>, vector<1024x144xf32> -> vector<1024x144xf32>
    %add3A_104 = arith.addf %get3A_101, %dot_general3A_103 : vector<1024x144xf32>
    %swap3A_105 = arith.constant 4096 : index
    %swap3A_106 = arith.constant 0 : index
    %swap3A_107 = vector.load %arg4[%swap3A_105, %swap3A_106] : memref<10240x144xf32, #tpu.memory_space<vmem>>, vector<1024x144xf32>
    tpu.vector_store %arg4[%swap3A_105, %swap3A_106], %add3A_104 {strides = array<i32>} : memref<10240x144xf32, #tpu.memory_space<vmem>>, vector<1024x144xf32>,
    %sub3A_108 = arith.constant 5120 : i32
    %sub3A_109 = vector.broadcast %sub3A_108 : i32 to vector<4000xi32>
    %sub3A_110 = arith.subi %get3A_5, %sub3A_109 : vector<4000xi32>
    %broadcast_in_dim3A_111 = vector.shape_cast %sub3A_110 : vector<4000xi32> to vector<1x4000xi32>
    %eq3A_112 = vector.broadcast %broadcast_in_dim3A_111 : vector<1x4000xi32> to vector<1024x4000xi32>
    %eq3A_113 = arith.cmpi eq, %iota3A, %eq3A_112 : vector<1024x4000xi32>
    %jit3A_114 = arith.constant 1.000000e+00 : f32
    %jit3A_115 = arith.constant 0.000000e+00 : f32
    %broadcast_in_dim3A_116 = vector.broadcast %jit3A_114 : f32 to vector<1024x4000xf32>
    %broadcast_in_dim3A_117 = vector.broadcast %jit3A_115 : f32 to vector<1024x4000xf32>
    %select_n3A_118 = arith.select %eq3A_113, %broadcast_in_dim3A_116, %broadcast_in_dim3A_117 : vector<1024x4000xi1>, vector<1024x4000xf32>
    %convert_element_type3A_119 = arith.truncf %select_n3A_118 : vector<1024x4000xf32> to vector<1024x4000xbf16>
    %get3A_120 = arith.constant 5120 : index
    %get3A_121 = arith.constant 0 : index
    %get3A_122 = vector.load %arg4[%get3A_120, %get3A_121] : memref<10240x144xf32, #tpu.memory_space<vmem>>, vector<1024x144xf32>
    %dot_general3A_123 = arith.constant dense<0.000000e+00> : vector<1024x144xf32>
    %dot_general3A_124 = tpu.matmul %convert_element_type3A_119, %convert_element_type3A_9, %dot_general3A_123 {dimension_numbers = #tpu.dot_dimension_numbers<[1], [0], [0], [1], [0, 0, 1, 1], [], []>, transpose_lhs_hint = false} : vector<1024x4000xbf16>, vector<4000x144xbf16>, vector<1024x144xf32> -> vector<1024x144xf32>
    %add3A_125 = arith.addf %get3A_122, %dot_general3A_124 : vector<1024x144xf32>
    %swap3A_126 = arith.constant 5120 : index
    %swap3A_127 = arith.constant 0 : index
    %swap3A_128 = vector.load %arg4[%swap3A_126, %swap3A_127] : memref<10240x144xf32, #tpu.memory_space<vmem>>, vector<1024x144xf32>
    tpu.vector_store %arg4[%swap3A_126, %swap3A_127], %add3A_125 {strides = array<i32>} : memref<10240x144xf32, #tpu.memory_space<vmem>>, vector<1024x144xf32>,
    %sub3A_129 = arith.constant 6144 : i32
    %sub3A_130 = vector.broadcast %sub3A_129 : i32 to vector<4000xi32>
    %sub3A_131 = arith.subi %get3A_5, %sub3A_130 : vector<4000xi32>
    %broadcast_in_dim3A_132 = vector.shape_cast %sub3A_131 : vector<4000xi32> to vector<1x4000xi32>
    %eq3A_133 = vector.broadcast %broadcast_in_dim3A_132 : vector<1x4000xi32> to vector<1024x4000xi32>
    %eq3A_134 = arith.cmpi eq, %iota3A, %eq3A_133 : vector<1024x4000xi32>
    %jit3A_135 = arith.constant 1.000000e+00 : f32
    %jit3A_136 = arith.constant 0.000000e+00 : f32
    %broadcast_in_dim3A_137 = vector.broadcast %jit3A_135 : f32 to vector<1024x4000xf32>
    %broadcast_in_dim3A_138 = vector.broadcast %jit3A_136 : f32 to vector<1024x4000xf32>
    %select_n3A_139 = arith.select %eq3A_134, %broadcast_in_dim3A_137, %broadcast_in_dim3A_138 : vector<1024x4000xi1>, vector<1024x4000xf32>
    %convert_element_type3A_140 = arith.truncf %select_n3A_139 : vector<1024x4000xf32> to vector<1024x4000xbf16>
    %get3A_141 = arith.constant 6144 : index
    %get3A_142 = arith.constant 0 : index
    %get3A_143 = vector.load %arg4[%get3A_141, %get3A_142] : memref<10240x144xf32, #tpu.memory_space<vmem>>, vector<1024x144xf32>
    %dot_general3A_144 = arith.constant dense<0.000000e+00> : vector<1024x144xf32>
    %dot_general3A_145 = tpu.matmul %convert_element_type3A_140, %convert_element_type3A_9, %dot_general3A_144 {dimension_numbers = #tpu.dot_dimension_numbers<[1], [0], [0], [1], [0, 0, 1, 1], [], []>, transpose_lhs_hint = false} : vector<1024x4000xbf16>, vector<4000x144xbf16>, vector<1024x144xf32> -> vector<1024x144xf32>
    %add3A_146 = arith.addf %get3A_143, %dot_general3A_145 : vector<1024x144xf32>
    %swap3A_147 = arith.constant 6144 : index
    %swap3A_148 = arith.constant 0 : index
    %swap3A_149 = vector.load %arg4[%swap3A_147, %swap3A_148] : memref<10240x144xf32, #tpu.memory_space<vmem>>, vector<1024x144xf32>
    tpu.vector_store %arg4[%swap3A_147, %swap3A_148], %add3A_146 {strides = array<i32>} : memref<10240x144xf32, #tpu.memory_space<vmem>>, vector<1024x144xf32>,
    %sub3A_150 = arith.constant 7168 : i32
    %sub3A_151 = vector.broadcast %sub3A_150 : i32 to vector<4000xi32>
    %sub3A_152 = arith.subi %get3A_5, %sub3A_151 : vector<4000xi32>
    %broadcast_in_dim3A_153 = vector.shape_cast %sub3A_152 : vector<4000xi32> to vector<1x4000xi32>
    %eq3A_154 = vector.broadcast %broadcast_in_dim3A_153 : vector<1x4000xi32> to vector<1024x4000xi32>
    %eq3A_155 = arith.cmpi eq, %iota3A, %eq3A_154 : vector<1024x4000xi32>
    %jit3A_156 = arith.constant 1.000000e+00 : f32
    %jit3A_157 = arith.constant 0.000000e+00 : f32
    %broadcast_in_dim3A_158 = vector.broadcast %jit3A_156 : f32 to vector<1024x4000xf32>
    %broadcast_in_dim3A_159 = vector.broadcast %jit3A_157 : f32 to vector<1024x4000xf32>
    %select_n3A_160 = arith.select %eq3A_155, %broadcast_in_dim3A_158, %broadcast_in_dim3A_159 : vector<1024x4000xi1>, vector<1024x4000xf32>
    %convert_element_type3A_161 = arith.truncf %select_n3A_160 : vector<1024x4000xf32> to vector<1024x4000xbf16>
    %get3A_162 = arith.constant 7168 : index
    %get3A_163 = arith.constant 0 : index
    %get3A_164 = vector.load %arg4[%get3A_162, %get3A_163] : memref<10240x144xf32, #tpu.memory_space<vmem>>, vector<1024x144xf32>
    %dot_general3A_165 = arith.constant dense<0.000000e+00> : vector<1024x144xf32>
    %dot_general3A_166 = tpu.matmul %convert_element_type3A_161, %convert_element_type3A_9, %dot_general3A_165 {dimension_numbers = #tpu.dot_dimension_numbers<[1], [0], [0], [1], [0, 0, 1, 1], [], []>, transpose_lhs_hint = false} : vector<1024x4000xbf16>, vector<4000x144xbf16>, vector<1024x144xf32> -> vector<1024x144xf32>
    %add3A_167 = arith.addf %get3A_164, %dot_general3A_166 : vector<1024x144xf32>
    %swap3A_168 = arith.constant 7168 : index
    %swap3A_169 = arith.constant 0 : index
    %swap3A_170 = vector.load %arg4[%swap3A_168, %swap3A_169] : memref<10240x144xf32, #tpu.memory_space<vmem>>, vector<1024x144xf32>
    tpu.vector_store %arg4[%swap3A_168, %swap3A_169], %add3A_167 {strides = array<i32>} : memref<10240x144xf32, #tpu.memory_space<vmem>>, vector<1024x144xf32>,
    %sub3A_171 = arith.constant 8192 : i32
    %sub3A_172 = vector.broadcast %sub3A_171 : i32 to vector<4000xi32>
    %sub3A_173 = arith.subi %get3A_5, %sub3A_172 : vector<4000xi32>
    %broadcast_in_dim3A_174 = vector.shape_cast %sub3A_173 : vector<4000xi32> to vector<1x4000xi32>
    %eq3A_175 = vector.broadcast %broadcast_in_dim3A_174 : vector<1x4000xi32> to vector<1024x4000xi32>
    %eq3A_176 = arith.cmpi eq, %iota3A, %eq3A_175 : vector<1024x4000xi32>
    %jit3A_177 = arith.constant 1.000000e+00 : f32
    %jit3A_178 = arith.constant 0.000000e+00 : f32
    %broadcast_in_dim3A_179 = vector.broadcast %jit3A_177 : f32 to vector<1024x4000xf32>
    %broadcast_in_dim3A_180 = vector.broadcast %jit3A_178 : f32 to vector<1024x4000xf32>
    %select_n3A_181 = arith.select %eq3A_176, %broadcast_in_dim3A_179, %broadcast_in_dim3A_180 : vector<1024x4000xi1>, vector<1024x4000xf32>
    %convert_element_type3A_182 = arith.truncf %select_n3A_181 : vector<1024x4000xf32> to vector<1024x4000xbf16>
    %get3A_183 = arith.constant 8192 : index
    %get3A_184 = arith.constant 0 : index
    %get3A_185 = vector.load %arg4[%get3A_183, %get3A_184] : memref<10240x144xf32, #tpu.memory_space<vmem>>, vector<1024x144xf32>
    %dot_general3A_186 = arith.constant dense<0.000000e+00> : vector<1024x144xf32>
    %dot_general3A_187 = tpu.matmul %convert_element_type3A_182, %convert_element_type3A_9, %dot_general3A_186 {dimension_numbers = #tpu.dot_dimension_numbers<[1], [0], [0], [1], [0, 0, 1, 1], [], []>, transpose_lhs_hint = false} : vector<1024x4000xbf16>, vector<4000x144xbf16>, vector<1024x144xf32> -> vector<1024x144xf32>
    %add3A_188 = arith.addf %get3A_185, %dot_general3A_187 : vector<1024x144xf32>
    %swap3A_189 = arith.constant 8192 : index
    %swap3A_190 = arith.constant 0 : index
    %swap3A_191 = vector.load %arg4[%swap3A_189, %swap3A_190] : memref<10240x144xf32, #tpu.memory_space<vmem>>, vector<1024x144xf32>
    tpu.vector_store %arg4[%swap3A_189, %swap3A_190], %add3A_188 {strides = array<i32>} : memref<10240x144xf32, #tpu.memory_space<vmem>>, vector<1024x144xf32>,
    %sub3A_192 = arith.constant 9216 : i32
    %sub3A_193 = vector.broadcast %sub3A_192 : i32 to vector<4000xi32>
    %sub3A_194 = arith.subi %get3A_5, %sub3A_193 : vector<4000xi32>
    %broadcast_in_dim3A_195 = vector.shape_cast %sub3A_194 : vector<4000xi32> to vector<1x4000xi32>
    %eq3A_196 = vector.broadcast %broadcast_in_dim3A_195 : vector<1x4000xi32> to vector<1024x4000xi32>
    %eq3A_197 = arith.cmpi eq, %iota3A, %eq3A_196 : vector<1024x4000xi32>
    %jit3A_198 = arith.constant 1.000000e+00 : f32
    %jit3A_199 = arith.constant 0.000000e+00 : f32
    %broadcast_in_dim3A_200 = vector.broadcast %jit3A_198 : f32 to vector<1024x4000xf32>
    %broadcast_in_dim3A_201 = vector.broadcast %jit3A_199 : f32 to vector<1024x4000xf32>
    %select_n3A_202 = arith.select %eq3A_197, %broadcast_in_dim3A_200, %broadcast_in_dim3A_201 : vector<1024x4000xi1>, vector<1024x4000xf32>
    %convert_element_type3A_203 = arith.truncf %select_n3A_202 : vector<1024x4000xf32> to vector<1024x4000xbf16>
    %get3A_204 = arith.constant 9216 : index
    %get3A_205 = arith.constant 0 : index
    %get3A_206 = vector.load %arg4[%get3A_204, %get3A_205] : memref<10240x144xf32, #tpu.memory_space<vmem>>, vector<1024x144xf32>
    %dot_general3A_207 = arith.constant dense<0.000000e+00> : vector<1024x144xf32>
    %dot_general3A_208 = tpu.matmul %convert_element_type3A_203, %convert_element_type3A_9, %dot_general3A_207 {dimension_numbers = #tpu.dot_dimension_numbers<[1], [0], [0], [1], [0, 0, 1, 1], [], []>, transpose_lhs_hint = false} : vector<1024x4000xbf16>, vector<4000x144xbf16>, vector<1024x144xf32> -> vector<1024x144xf32>
    %add3A_209 = arith.addf %get3A_206, %dot_general3A_208 : vector<1024x144xf32>
    %swap3A_210 = arith.constant 9216 : index
    %swap3A_211 = arith.constant 0 : index
    %swap3A_212 = vector.load %arg4[%swap3A_210, %swap3A_211] : memref<10240x144xf32, #tpu.memory_space<vmem>>, vector<1024x144xf32>
    tpu.vector_store %arg4[%swap3A_210, %swap3A_211], %add3A_209 {strides = array<i32>} : memref<10240x144xf32, #tpu.memory_space<vmem>>, vector<1024x144xf32>,
    %eq3A_213 = arith.constant 79 : i32
    %eq3A_214 = arith.cmpi eq, %arg0, %eq3A_213 : i32
    %convert_element_type3A_215 = arith.extui %eq3A_214 : i1 to i32
    %cond3A_216 = arith.constant 0 : i32
    %cond3A_217 = arith.cmpi ne, %convert_element_type3A_215, %cond3A_216 : i32
    scf.if %cond3A_217 {
      %get3A_218 = arith.constant 0 : index
      %get3A_219 = arith.constant 0 : index
      %get3A_220 = vector.load %arg4[%get3A_218, %get3A_219] : memref<10240x144xf32, #tpu.memory_space<vmem>>, vector<10240x144xf32>
      %swap3A_221 = arith.constant 0 : index
      %swap3A_222 = arith.constant 0 : index
      %swap3A_223 = vector.load %arg3[%swap3A_221, %swap3A_222] : memref<10240x144xf32, #tpu.memory_space<vmem>>, vector<10240x144xf32>
      tpu.vector_store %arg3[%swap3A_221, %swap3A_222], %get3A_220 {strides = array<i32>} : memref<10240x144xf32, #tpu.memory_space<vmem>>, vector<10240x144xf32>,
    } else {
    }
    return
  }
  func.func @transform_0(%arg0: i32) -> (i32, i32, i32) {
    %c0_i32 = arith.constant 0 : i32
    %c0_i32_0 = arith.constant 0 : i32
    %c0_i32_1 = arith.constant 0 : i32
    return %arg0, %c0_i32, %c0_i32_0 : i32, i32, i32
  }
  func.func @transform_1(%arg0: i32) -> (i32, i32) {
    %c0_i32 = arith.constant 0 : i32
    %c0_i32_0 = arith.constant 0 : i32
    return %arg0, %c0_i32 : i32, i32
  }
  func.func @transform_2(%arg0: i32) -> (i32, i32) {
    %c0_i32 = arith.constant 0 : i32
    %c0_i32_0 = arith.constant 0 : i32
    %c0_i32_1 = arith.constant 0 : i32
    return %c0_i32, %c0_i32_0 : i32, i32
  }
}

module attributes {stable_mosaic.version = 14 : i64} {
  func.func @_s5_body(%arg0: i32, %arg1: memref<1000x144xf32, #tpu.memory_space<vmem>>, %arg2: memref<1000x128xf32, #tpu.memory_space<vmem>>, %arg3: memref<1000x128xf32, #tpu.memory_space<vmem>>, %arg4: memref<1x128xf32, #tpu.memory_space<vmem>>, %arg5: memref<1x128xf32, #tpu.memory_space<vmem>>, %arg6: memref<1000x128xf32, #tpu.memory_space<vmem>>, %arg7: memref<1x1x128xf32, #tpu.memory_space<vmem>>) attributes {dimension_semantics = [#tpu.dimension_semantics<arbitrary>], iteration_bounds = array<i64: 10>, scalar_prefetch = 0 : i64, scratch_operands = 0 : i64, tpu.core_type = #tpu.core_type<tc>, window_params = [{transform_indices = @transform_0, window_bounds = array<i64: 1000, 144>}, {transform_indices = @transform_1, window_bounds = array<i64: 1000, 128>}, {transform_indices = @transform_2, window_bounds = array<i64: 1000, 128>}, {pipeline_mode = #tpu.pipeline_mode<synchronous>, transform_indices = @transform_3, window_bounds = array<i64: 1, 128>}, {pipeline_mode = #tpu.pipeline_mode<synchronous>, transform_indices = @transform_4, window_bounds = array<i64: 1, 128>}, {transform_indices = @transform_5, window_bounds = array<i64: 1000, 128>}, {transform_indices = @transform_6, window_bounds = array<i64: 1, 1, 128>}]} {
    %get3A = arith.constant 0 : index
    %get3A_0 = arith.constant 0 : index
    %get3A_1 = vector.load %arg2[%get3A, %get3A_0] : memref<1000x128xf32, #tpu.memory_space<vmem>>, vector<1000x128xf32>
    %get3A_2 = arith.constant 0 : index
    %get3A_3 = arith.constant 0 : index
    %get3A_4 = vector.load %arg3[%get3A_2, %get3A_3] : memref<1000x128xf32, #tpu.memory_space<vmem>>, vector<1000x128xf32>
    %add3A = arith.addf %get3A_1, %get3A_4 : vector<1000x128xf32>
    %gt3A = arith.constant 0.000000e+00 : f32
    %gt3A_5 = vector.broadcast %gt3A : f32 to vector<1000x128xf32>
    %gt3A_6 = arith.cmpf ogt, %add3A, %gt3A_5 : vector<1000x128xf32>
    %mul3A = arith.constant 2.000000e-01 : f32
    %mul3A_7 = vector.broadcast %mul3A : f32 to vector<1000x128xf32>
    %mul3A_8 = arith.mulf %mul3A_7, %add3A : vector<1000x128xf32>
    %select_n3A = arith.select %gt3A_6, %add3A, %mul3A_8 : vector<1000x128xi1>, vector<1000x128xf32>
    %get3A_9 = arith.constant 0 : index
    %get3A_10 = arith.constant 0 : index
    %get3A_11 = vector.load %arg4[%get3A_9, %get3A_10] : memref<1x128xf32, #tpu.memory_space<vmem>>, vector<1x128xf32>
    %mul3A_12 = vector.broadcast %get3A_11 : vector<1x128xf32> to vector<1000x128xf32>
    %mul3A_13 = arith.mulf %select_n3A, %mul3A_12 : vector<1000x128xf32>
    %reduce_sum3A = arith.constant dense<0.000000e+00> : vector<1000xf32>
    %reduce_sum3A_14 = vector.multi_reduction <add>, %mul3A_13, %reduce_sum3A [1] : vector<1000x128xf32> to vector<1000xf32>
    %broadcast_in_dim3A = vector.shape_cast %reduce_sum3A_14 : vector<1000xf32> to vector<1000x1xf32>
    %exp3A = math.exp %broadcast_in_dim3A : vector<1000x1xf32>
    %get3A_15 = arith.constant 0 : index
    %get3A_16 = arith.constant 0 : index
    %get3A_17 = vector.load %arg1[%get3A_15, %get3A_16] : memref<1000x144xf32, #tpu.memory_space<vmem>>, vector<1000x144xf32>
    %slice3A = vector.extract_strided_slice %get3A_17 {offsets = [0, 0], sizes = [1000, 128], strides = [1, 1]} : vector<1000x144xf32> to vector<1000x128xf32>
    %mul3A_18 = vector.broadcast %exp3A : vector<1000x1xf32> to vector<1000x128xf32>
    %mul3A_19 = arith.mulf %mul3A_18, %get3A_1 : vector<1000x128xf32>
    %add3A_20 = arith.addf %slice3A, %mul3A_19 : vector<1000x128xf32>
    %slice3A_21 = vector.extract_strided_slice %get3A_17 {offsets = [0, 128], sizes = [1000, 1], strides = [1, 1]} : vector<1000x144xf32> to vector<1000x1xf32>
    %add3A_22 = arith.addf %slice3A_21, %exp3A : vector<1000x1xf32>
    %add3A_23 = arith.constant 1.000000e-16 : f32
    %add3A_24 = vector.broadcast %add3A_23 : f32 to vector<1000x1xf32>
    %add3A_25 = arith.addf %add3A_22, %add3A_24 : vector<1000x1xf32>
    %div3A = vector.broadcast %add3A_25 : vector<1000x1xf32> to vector<1000x128xf32>
    %div3A_26 = arith.divf %add3A_20, %div3A : vector<1000x128xf32>
    %get3A_27 = arith.constant 0 : index
    %get3A_28 = arith.constant 0 : index
    %get3A_29 = vector.load %arg5[%get3A_27, %get3A_28] : memref<1x128xf32, #tpu.memory_space<vmem>>, vector<1x128xf32>
    %add3A_30 = vector.broadcast %get3A_29 : vector<1x128xf32> to vector<1000x128xf32>
    %add3A_31 = arith.addf %div3A_26, %add3A_30 : vector<1000x128xf32>
    %swap3A = arith.constant 0 : index
    %swap3A_32 = arith.constant 0 : index
    %swap3A_33 = vector.load %arg6[%swap3A, %swap3A_32] : memref<1000x128xf32, #tpu.memory_space<vmem>>, vector<1000x128xf32>
    tpu.vector_store %arg6[%swap3A, %swap3A_32], %add3A_31 {strides = array<i32>} : memref<1000x128xf32, #tpu.memory_space<vmem>>, vector<1000x128xf32>,
    %reduce_sum3A_34 = vector.shape_cast %add3A_31 : vector<1000x128xf32> to vector<1x1000x128xf32>
    %reduce_sum3A_35 = arith.constant dense<0.000000e+00> : vector<1xf32>
    %reduce_sum3A_36 = vector.multi_reduction <add>, %reduce_sum3A_34, %reduce_sum3A_35 [1, 2] : vector<1x1000x128xf32> to vector<1xf32>
    %reduce_sum3A_37 = vector.shape_cast %reduce_sum3A_36 : vector<1xf32> to vector<1x1x1xf32>
    %reduce_sum3A_38 = vector.extract %reduce_sum3A_37[0, 0, 0] : f32 from vector<1x1x1xf32>
    %mul3A_39 = arith.mulf %add3A_31, %add3A_31 : vector<1000x128xf32>
    %reduce_sum3A_40 = vector.shape_cast %mul3A_39 : vector<1000x128xf32> to vector<1x1000x128xf32>
    %reduce_sum3A_41 = arith.constant dense<0.000000e+00> : vector<1xf32>
    %reduce_sum3A_42 = vector.multi_reduction <add>, %reduce_sum3A_40, %reduce_sum3A_41 [1, 2] : vector<1x1000x128xf32> to vector<1xf32>
    %reduce_sum3A_43 = vector.shape_cast %reduce_sum3A_42 : vector<1xf32> to vector<1x1x1xf32>
    %reduce_sum3A_44 = vector.extract %reduce_sum3A_43[0, 0, 0] : f32 from vector<1x1x1xf32>
    %iota3A = tpu.iota {dimensions = array<i32: 2>} : vector<1x1x128xi32>
    %eq3A = arith.constant 0 : i32
    %eq3A_45 = vector.broadcast %eq3A : i32 to vector<1x1x128xi32>
    %eq3A_46 = arith.cmpi eq, %iota3A, %eq3A_45 : vector<1x1x128xi32>
    %jit3A = arith.constant 0.000000e+00 : f32
    %broadcast_in_dim3A_47 = vector.broadcast %reduce_sum3A_38 : f32 to vector<1x1x128xf32>
    %broadcast_in_dim3A_48 = vector.broadcast %jit3A : f32 to vector<1x1x128xf32>
    %select_n3A_49 = arith.select %eq3A_46, %broadcast_in_dim3A_47, %broadcast_in_dim3A_48 : vector<1x1x128xi1>, vector<1x1x128xf32>
    %eq3A_50 = arith.constant 1 : i32
    %eq3A_51 = vector.broadcast %eq3A_50 : i32 to vector<1x1x128xi32>
    %eq3A_52 = arith.cmpi eq, %iota3A, %eq3A_51 : vector<1x1x128xi32>
    %jit3A_53 = arith.constant 0.000000e+00 : f32
    %broadcast_in_dim3A_54 = vector.broadcast %reduce_sum3A_44 : f32 to vector<1x1x128xf32>
    %broadcast_in_dim3A_55 = vector.broadcast %jit3A_53 : f32 to vector<1x1x128xf32>
    %select_n3A_56 = arith.select %eq3A_52, %broadcast_in_dim3A_54, %broadcast_in_dim3A_55 : vector<1x1x128xi1>, vector<1x1x128xf32>
    %add3A_57 = arith.addf %select_n3A_49, %select_n3A_56 : vector<1x1x128xf32>
    %swap3A_58 = arith.constant 0 : index
    %swap3A_59 = arith.constant 0 : index
    %swap3A_60 = arith.constant 0 : index
    %swap3A_61 = vector.load %arg7[%swap3A_58, %swap3A_59, %swap3A_60] : memref<1x1x128xf32, #tpu.memory_space<vmem>>, vector<1x1x128xf32>
    tpu.vector_store %arg7[%swap3A_58, %swap3A_59, %swap3A_60], %add3A_57 {strides = array<i32>} : memref<1x1x128xf32, #tpu.memory_space<vmem>>, vector<1x1x128xf32>,
    return
  }
  func.func @transform_0(%arg0: i32) -> (i32, i32) {
    %c0_i32 = arith.constant 0 : i32
    %c0_i32_0 = arith.constant 0 : i32
    return %arg0, %c0_i32 : i32, i32
  }
  func.func @transform_1(%arg0: i32) -> (i32, i32) {
    %c0_i32 = arith.constant 0 : i32
    %c0_i32_0 = arith.constant 0 : i32
    return %arg0, %c0_i32 : i32, i32
  }
  func.func @transform_2(%arg0: i32) -> (i32, i32) {
    %c0_i32 = arith.constant 0 : i32
    %c0_i32_0 = arith.constant 0 : i32
    return %arg0, %c0_i32 : i32, i32
  }
  func.func @transform_3(%arg0: i32) -> (i32, i32) {
    %c0_i32 = arith.constant 0 : i32
    %c0_i32_0 = arith.constant 0 : i32
    %c0_i32_1 = arith.constant 0 : i32
    return %c0_i32, %c0_i32_0 : i32, i32
  }
  func.func @transform_4(%arg0: i32) -> (i32, i32) {
    %c0_i32 = arith.constant 0 : i32
    %c0_i32_0 = arith.constant 0 : i32
    %c0_i32_1 = arith.constant 0 : i32
    return %c0_i32, %c0_i32_0 : i32, i32
  }
  func.func @transform_5(%arg0: i32) -> (i32, i32) {
    %c0_i32 = arith.constant 0 : i32
    %c0_i32_0 = arith.constant 0 : i32
    return %arg0, %c0_i32 : i32, i32
  }
  func.func @transform_6(%arg0: i32) -> (i32, i32, i32) {
    %c0_i32 = arith.constant 0 : i32
    %c0_i32_0 = arith.constant 0 : i32
    %c0_i32_1 = arith.constant 0 : i32
    return %arg0, %c0_i32, %c0_i32_0 : i32, i32, i32
  }
}

module attributes {stable_mosaic.version = 14 : i64} {
  func.func @_s6_body(%arg0: i32, %arg1: memref<1000x128xf32, #tpu.memory_space<vmem>>, %arg2: memref<10x1x128xf32, #tpu.memory_space<vmem>>, %arg3: memref<1x128xf32, #tpu.memory_space<vmem>>, %arg4: memref<1x128xf32, #tpu.memory_space<vmem>>, %arg5: memref<128x128xf32, #tpu.memory_space<vmem>>, %arg6: memref<1x128xf32, #tpu.memory_space<vmem>>, %arg7: memref<1000x128xf32, #tpu.memory_space<vmem>>, %arg8: memref<1x1x128xf32, #tpu.memory_space<vmem>>) attributes {dimension_semantics = [#tpu.dimension_semantics<arbitrary>], iteration_bounds = array<i64: 10>, scalar_prefetch = 0 : i64, scratch_operands = 0 : i64, tpu.core_type = #tpu.core_type<tc>, window_params = [{transform_indices = @transform_0, window_bounds = array<i64: 1000, 128>}, {pipeline_mode = #tpu.pipeline_mode<synchronous>, transform_indices = @transform_1, window_bounds = array<i64: 10, 1, 128>}, {pipeline_mode = #tpu.pipeline_mode<synchronous>, transform_indices = @transform_2, window_bounds = array<i64: 1, 128>}, {pipeline_mode = #tpu.pipeline_mode<synchronous>, transform_indices = @transform_3, window_bounds = array<i64: 1, 128>}, {pipeline_mode = #tpu.pipeline_mode<synchronous>, transform_indices = @transform_4, window_bounds = array<i64: 128, 128>}, {pipeline_mode = #tpu.pipeline_mode<synchronous>, transform_indices = @transform_5, window_bounds = array<i64: 1, 128>}, {transform_indices = @transform_6, window_bounds = array<i64: 1000, 128>}, {transform_indices = @transform_7, window_bounds = array<i64: 1, 1, 128>}]} {
    %get3A = arith.constant 0 : index
    %get3A_0 = arith.constant 0 : index
    %get3A_1 = arith.constant 0 : index
    %get3A_2 = vector.load %arg2[%get3A, %get3A_0, %get3A_1] : memref<10x1x128xf32, #tpu.memory_space<vmem>>, vector<10x1x128xf32>
    %slice3A = vector.extract_strided_slice %get3A_2 {offsets = [0, 0, 0], sizes = [10, 1, 1], strides = [1, 1, 1]} : vector<10x1x128xf32> to vector<10x1x1xf32>
    %squeeze3A = vector.shape_cast %slice3A : vector<10x1x1xf32> to vector<10xf32>
    %reduce_sum3A = vector.shape_cast %squeeze3A : vector<10xf32> to vector<1x10xf32>
    %reduce_sum3A_3 = arith.constant dense<0.000000e+00> : vector<1xf32>
    %reduce_sum3A_4 = vector.multi_reduction <add>, %reduce_sum3A, %reduce_sum3A_3 [1] : vector<1x10xf32> to vector<1xf32>
    %reduce_sum3A_5 = vector.shape_cast %reduce_sum3A_4 : vector<1xf32> to vector<1x1xf32>
    %reduce_sum3A_6 = vector.extract %reduce_sum3A_5[0, 0] : f32 from vector<1x1xf32>
    %get3A_7 = arith.constant 0 : index
    %get3A_8 = arith.constant 0 : index
    %get3A_9 = arith.constant 0 : index
    %get3A_10 = vector.load %arg2[%get3A_7, %get3A_8, %get3A_9] : memref<10x1x128xf32, #tpu.memory_space<vmem>>, vector<10x1x128xf32>
    %slice3A_11 = vector.extract_strided_slice %get3A_10 {offsets = [0, 0, 1], sizes = [10, 1, 1], strides = [1, 1, 1]} : vector<10x1x128xf32> to vector<10x1x1xf32>
    %squeeze3A_12 = vector.shape_cast %slice3A_11 : vector<10x1x1xf32> to vector<10xf32>
    %reduce_sum3A_13 = vector.shape_cast %squeeze3A_12 : vector<10xf32> to vector<1x10xf32>
    %reduce_sum3A_14 = arith.constant dense<0.000000e+00> : vector<1xf32>
    %reduce_sum3A_15 = vector.multi_reduction <add>, %reduce_sum3A_13, %reduce_sum3A_14 [1] : vector<1x10xf32> to vector<1xf32>
    %reduce_sum3A_16 = vector.shape_cast %reduce_sum3A_15 : vector<1xf32> to vector<1x1xf32>
    %reduce_sum3A_17 = vector.extract %reduce_sum3A_16[0, 0] : f32 from vector<1x1xf32>
    %div3A = arith.constant 1.280000e+06 : f32
    %div3A_18 = arith.divf %reduce_sum3A_6, %div3A : f32
    %div3A_19 = arith.constant 1.280000e+06 : f32
    %div3A_20 = arith.divf %reduce_sum3A_17, %div3A_19 : f32
    %mul3A = arith.mulf %div3A_18, %div3A_18 : f32
    %sub3A = arith.subf %div3A_20, %mul3A : f32
    %max3A = arith.constant 0.000000e+00 : f32
    %max3A_21 = arith.maximumf %sub3A, %max3A : f32
    %sqrt3A = math.sqrt %max3A_21 : f32
    %get3A_22 = arith.constant 0 : index
    %get3A_23 = arith.constant 0 : index
    %get3A_24 = vector.load %arg1[%get3A_22, %get3A_23] : memref<1000x128xf32, #tpu.memory_space<vmem>>, vector<1000x128xf32>
    %sub3A_25 = vector.broadcast %div3A_18 : f32 to vector<1000x128xf32>
    %sub3A_26 = arith.subf %get3A_24, %sub3A_25 : vector<1000x128xf32>
    %add3A = arith.constant 9.99999974E-6 : f32
    %add3A_27 = arith.addf %sqrt3A, %add3A : f32
    %div3A_28 = vector.broadcast %add3A_27 : f32 to vector<1000x128xf32>
    %div3A_29 = arith.divf %sub3A_26, %div3A_28 : vector<1000x128xf32>
    %get3A_30 = arith.constant 0 : index
    %get3A_31 = arith.constant 0 : index
    %get3A_32 = vector.load %arg3[%get3A_30, %get3A_31] : memref<1x128xf32, #tpu.memory_space<vmem>>, vector<1x128xf32>
    %mul3A_33 = vector.broadcast %get3A_32 : vector<1x128xf32> to vector<1000x128xf32>
    %mul3A_34 = arith.mulf %div3A_29, %mul3A_33 : vector<1000x128xf32>
    %get3A_35 = arith.constant 0 : index
    %get3A_36 = arith.constant 0 : index
    %get3A_37 = vector.load %arg4[%get3A_35, %get3A_36] : memref<1x128xf32, #tpu.memory_space<vmem>>, vector<1x128xf32>
    %add3A_38 = vector.broadcast %get3A_37 : vector<1x128xf32> to vector<1000x128xf32>
    %add3A_39 = arith.addf %mul3A_34, %add3A_38 : vector<1000x128xf32>
    %max3A_40 = arith.constant 0.000000e+00 : f32
    %max3A_41 = vector.broadcast %max3A_40 : f32 to vector<1000x128xf32>
    %max3A_42 = arith.maximumf %add3A_39, %max3A_41 : vector<1000x128xf32>
    %get3A_43 = arith.constant 0 : index
    %get3A_44 = arith.constant 0 : index
    %get3A_45 = vector.load %arg5[%get3A_43, %get3A_44] : memref<128x128xf32, #tpu.memory_space<vmem>>, vector<128x128xf32>
    %dot_general3A = arith.constant dense<0.000000e+00> : vector<1000x128xf32>
    %dot_general3A_46 = tpu.matmul %max3A_42, %get3A_45, %dot_general3A {dimension_numbers = #tpu.dot_dimension_numbers<[1], [1], [0], [0], [0, 0, 1, 0], [], []>, transpose_lhs_hint = false} : vector<1000x128xf32>, vector<128x128xf32>, vector<1000x128xf32> -> vector<1000x128xf32>
    %get3A_47 = arith.constant 0 : index
    %get3A_48 = arith.constant 0 : index
    %get3A_49 = vector.load %arg6[%get3A_47, %get3A_48] : memref<1x128xf32, #tpu.memory_space<vmem>>, vector<1x128xf32>
    %add3A_50 = vector.broadcast %get3A_49 : vector<1x128xf32> to vector<1000x128xf32>
    %add3A_51 = arith.addf %dot_general3A_46, %add3A_50 : vector<1000x128xf32>
    %swap3A = arith.constant 0 : index
    %swap3A_52 = arith.constant 0 : index
    %swap3A_53 = vector.load %arg7[%swap3A, %swap3A_52] : memref<1000x128xf32, #tpu.memory_space<vmem>>, vector<1000x128xf32>
    tpu.vector_store %arg7[%swap3A, %swap3A_52], %add3A_51 {strides = array<i32>} : memref<1000x128xf32, #tpu.memory_space<vmem>>, vector<1000x128xf32>,
    %reduce_sum3A_54 = vector.shape_cast %add3A_51 : vector<1000x128xf32> to vector<1x1000x128xf32>
    %reduce_sum3A_55 = arith.constant dense<0.000000e+00> : vector<1xf32>
    %reduce_sum3A_56 = vector.multi_reduction <add>, %reduce_sum3A_54, %reduce_sum3A_55 [1, 2] : vector<1x1000x128xf32> to vector<1xf32>
    %reduce_sum3A_57 = vector.shape_cast %reduce_sum3A_56 : vector<1xf32> to vector<1x1x1xf32>
    %reduce_sum3A_58 = vector.extract %reduce_sum3A_57[0, 0, 0] : f32 from vector<1x1x1xf32>
    %mul3A_59 = arith.mulf %add3A_51, %add3A_51 : vector<1000x128xf32>
    %reduce_sum3A_60 = vector.shape_cast %mul3A_59 : vector<1000x128xf32> to vector<1x1000x128xf32>
    %reduce_sum3A_61 = arith.constant dense<0.000000e+00> : vector<1xf32>
    %reduce_sum3A_62 = vector.multi_reduction <add>, %reduce_sum3A_60, %reduce_sum3A_61 [1, 2] : vector<1x1000x128xf32> to vector<1xf32>
    %reduce_sum3A_63 = vector.shape_cast %reduce_sum3A_62 : vector<1xf32> to vector<1x1x1xf32>
    %reduce_sum3A_64 = vector.extract %reduce_sum3A_63[0, 0, 0] : f32 from vector<1x1x1xf32>
    %iota3A = tpu.iota {dimensions = array<i32: 2>} : vector<1x1x128xi32>
    %eq3A = arith.constant 0 : i32
    %eq3A_65 = vector.broadcast %eq3A : i32 to vector<1x1x128xi32>
    %eq3A_66 = arith.cmpi eq, %iota3A, %eq3A_65 : vector<1x1x128xi32>
    %jit3A = arith.constant 0.000000e+00 : f32
    %broadcast_in_dim3A = vector.broadcast %reduce_sum3A_58 : f32 to vector<1x1x128xf32>
    %broadcast_in_dim3A_67 = vector.broadcast %jit3A : f32 to vector<1x1x128xf32>
    %select_n3A = arith.select %eq3A_66, %broadcast_in_dim3A, %broadcast_in_dim3A_67 : vector<1x1x128xi1>, vector<1x1x128xf32>
    %eq3A_68 = arith.constant 1 : i32
    %eq3A_69 = vector.broadcast %eq3A_68 : i32 to vector<1x1x128xi32>
    %eq3A_70 = arith.cmpi eq, %iota3A, %eq3A_69 : vector<1x1x128xi32>
    %jit3A_71 = arith.constant 0.000000e+00 : f32
    %broadcast_in_dim3A_72 = vector.broadcast %reduce_sum3A_64 : f32 to vector<1x1x128xf32>
    %broadcast_in_dim3A_73 = vector.broadcast %jit3A_71 : f32 to vector<1x1x128xf32>
    %select_n3A_74 = arith.select %eq3A_70, %broadcast_in_dim3A_72, %broadcast_in_dim3A_73 : vector<1x1x128xi1>, vector<1x1x128xf32>
    %add3A_75 = arith.addf %select_n3A, %select_n3A_74 : vector<1x1x128xf32>
    %swap3A_76 = arith.constant 0 : index
    %swap3A_77 = arith.constant 0 : index
    %swap3A_78 = arith.constant 0 : index
    %swap3A_79 = vector.load %arg8[%swap3A_76, %swap3A_77, %swap3A_78] : memref<1x1x128xf32, #tpu.memory_space<vmem>>, vector<1x1x128xf32>
    tpu.vector_store %arg8[%swap3A_76, %swap3A_77, %swap3A_78], %add3A_75 {strides = array<i32>} : memref<1x1x128xf32, #tpu.memory_space<vmem>>, vector<1x1x128xf32>,
    return
  }
  func.func @transform_0(%arg0: i32) -> (i32, i32) {
    %c0_i32 = arith.constant 0 : i32
    %c0_i32_0 = arith.constant 0 : i32
    return %arg0, %c0_i32 : i32, i32
  }
  func.func @transform_1(%arg0: i32) -> (i32, i32, i32) {
    %c0_i32 = arith.constant 0 : i32
    %c0_i32_0 = arith.constant 0 : i32
    %c0_i32_1 = arith.constant 0 : i32
    %c0_i32_2 = arith.constant 0 : i32
    return %c0_i32, %c0_i32_0, %c0_i32_1 : i32, i32, i32
  }
  func.func @transform_2(%arg0: i32) -> (i32, i32) {
    %c0_i32 = arith.constant 0 : i32
    %c0_i32_0 = arith.constant 0 : i32
    %c0_i32_1 = arith.constant 0 : i32
    return %c0_i32, %c0_i32_0 : i32, i32
  }
  func.func @transform_3(%arg0: i32) -> (i32, i32) {
    %c0_i32 = arith.constant 0 : i32
    %c0_i32_0 = arith.constant 0 : i32
    %c0_i32_1 = arith.constant 0 : i32
    return %c0_i32, %c0_i32_0 : i32, i32
  }
  func.func @transform_4(%arg0: i32) -> (i32, i32) {
    %c0_i32 = arith.constant 0 : i32
    %c0_i32_0 = arith.constant 0 : i32
    %c0_i32_1 = arith.constant 0 : i32
    return %c0_i32, %c0_i32_0 : i32, i32
  }
  func.func @transform_5(%arg0: i32) -> (i32, i32) {
    %c0_i32 = arith.constant 0 : i32
    %c0_i32_0 = arith.constant 0 : i32
    %c0_i32_1 = arith.constant 0 : i32
    return %c0_i32, %c0_i32_0 : i32, i32
  }
  func.func @transform_6(%arg0: i32) -> (i32, i32) {
    %c0_i32 = arith.constant 0 : i32
    %c0_i32_0 = arith.constant 0 : i32
    return %arg0, %c0_i32 : i32, i32
  }
  func.func @transform_7(%arg0: i32) -> (i32, i32, i32) {
    %c0_i32 = arith.constant 0 : i32
    %c0_i32_0 = arith.constant 0 : i32
    %c0_i32_1 = arith.constant 0 : i32
    return %arg0, %c0_i32, %c0_i32_0 : i32, i32, i32
  }
}

module attributes {stable_mosaic.version = 14 : i64} {
  func.func @_s7_body(%arg0: i32, %arg1: memref<1000x128xf32, #tpu.memory_space<vmem>>, %arg2: memref<10x1x128xf32, #tpu.memory_space<vmem>>, %arg3: memref<1x128xf32, #tpu.memory_space<vmem>>, %arg4: memref<1x128xf32, #tpu.memory_space<vmem>>, %arg5: memref<1000x128xf32, #tpu.memory_space<vmem>>, %arg6: memref<1000x128xf32, #tpu.memory_space<vmem>>) attributes {dimension_semantics = [#tpu.dimension_semantics<arbitrary>], iteration_bounds = array<i64: 10>, scalar_prefetch = 0 : i64, scratch_operands = 0 : i64, tpu.core_type = #tpu.core_type<tc>, window_params = [{transform_indices = @transform_0, window_bounds = array<i64: 1000, 128>}, {pipeline_mode = #tpu.pipeline_mode<synchronous>, transform_indices = @transform_1, window_bounds = array<i64: 10, 1, 128>}, {pipeline_mode = #tpu.pipeline_mode<synchronous>, transform_indices = @transform_2, window_bounds = array<i64: 1, 128>}, {pipeline_mode = #tpu.pipeline_mode<synchronous>, transform_indices = @transform_3, window_bounds = array<i64: 1, 128>}, {transform_indices = @transform_4, window_bounds = array<i64: 1000, 128>}, {transform_indices = @transform_5, window_bounds = array<i64: 1000, 128>}]} {
    %get3A = arith.constant 0 : index
    %get3A_0 = arith.constant 0 : index
    %get3A_1 = arith.constant 0 : index
    %get3A_2 = vector.load %arg2[%get3A, %get3A_0, %get3A_1] : memref<10x1x128xf32, #tpu.memory_space<vmem>>, vector<10x1x128xf32>
    %slice3A = vector.extract_strided_slice %get3A_2 {offsets = [0, 0, 0], sizes = [10, 1, 1], strides = [1, 1, 1]} : vector<10x1x128xf32> to vector<10x1x1xf32>
    %squeeze3A = vector.shape_cast %slice3A : vector<10x1x1xf32> to vector<10xf32>
    %reduce_sum3A = vector.shape_cast %squeeze3A : vector<10xf32> to vector<1x10xf32>
    %reduce_sum3A_3 = arith.constant dense<0.000000e+00> : vector<1xf32>
    %reduce_sum3A_4 = vector.multi_reduction <add>, %reduce_sum3A, %reduce_sum3A_3 [1] : vector<1x10xf32> to vector<1xf32>
    %reduce_sum3A_5 = vector.shape_cast %reduce_sum3A_4 : vector<1xf32> to vector<1x1xf32>
    %reduce_sum3A_6 = vector.extract %reduce_sum3A_5[0, 0] : f32 from vector<1x1xf32>
    %get3A_7 = arith.constant 0 : index
    %get3A_8 = arith.constant 0 : index
    %get3A_9 = arith.constant 0 : index
    %get3A_10 = vector.load %arg2[%get3A_7, %get3A_8, %get3A_9] : memref<10x1x128xf32, #tpu.memory_space<vmem>>, vector<10x1x128xf32>
    %slice3A_11 = vector.extract_strided_slice %get3A_10 {offsets = [0, 0, 1], sizes = [10, 1, 1], strides = [1, 1, 1]} : vector<10x1x128xf32> to vector<10x1x1xf32>
    %squeeze3A_12 = vector.shape_cast %slice3A_11 : vector<10x1x1xf32> to vector<10xf32>
    %reduce_sum3A_13 = vector.shape_cast %squeeze3A_12 : vector<10xf32> to vector<1x10xf32>
    %reduce_sum3A_14 = arith.constant dense<0.000000e+00> : vector<1xf32>
    %reduce_sum3A_15 = vector.multi_reduction <add>, %reduce_sum3A_13, %reduce_sum3A_14 [1] : vector<1x10xf32> to vector<1xf32>
    %reduce_sum3A_16 = vector.shape_cast %reduce_sum3A_15 : vector<1xf32> to vector<1x1xf32>
    %reduce_sum3A_17 = vector.extract %reduce_sum3A_16[0, 0] : f32 from vector<1x1xf32>
    %div3A = arith.constant 1.280000e+06 : f32
    %div3A_18 = arith.divf %reduce_sum3A_6, %div3A : f32
    %div3A_19 = arith.constant 1.280000e+06 : f32
    %div3A_20 = arith.divf %reduce_sum3A_17, %div3A_19 : f32
    %mul3A = arith.mulf %div3A_18, %div3A_18 : f32
    %sub3A = arith.subf %div3A_20, %mul3A : f32
    %max3A = arith.constant 0.000000e+00 : f32
    %max3A_21 = arith.maximumf %sub3A, %max3A : f32
    %sqrt3A = math.sqrt %max3A_21 : f32
    %get3A_22 = arith.constant 0 : index
    %get3A_23 = arith.constant 0 : index
    %get3A_24 = vector.load %arg1[%get3A_22, %get3A_23] : memref<1000x128xf32, #tpu.memory_space<vmem>>, vector<1000x128xf32>
    %sub3A_25 = vector.broadcast %div3A_18 : f32 to vector<1000x128xf32>
    %sub3A_26 = arith.subf %get3A_24, %sub3A_25 : vector<1000x128xf32>
    %add3A = arith.constant 9.99999974E-6 : f32
    %add3A_27 = arith.addf %sqrt3A, %add3A : f32
    %div3A_28 = vector.broadcast %add3A_27 : f32 to vector<1000x128xf32>
    %div3A_29 = arith.divf %sub3A_26, %div3A_28 : vector<1000x128xf32>
    %get3A_30 = arith.constant 0 : index
    %get3A_31 = arith.constant 0 : index
    %get3A_32 = vector.load %arg3[%get3A_30, %get3A_31] : memref<1x128xf32, #tpu.memory_space<vmem>>, vector<1x128xf32>
    %mul3A_33 = vector.broadcast %get3A_32 : vector<1x128xf32> to vector<1000x128xf32>
    %mul3A_34 = arith.mulf %div3A_29, %mul3A_33 : vector<1000x128xf32>
    %get3A_35 = arith.constant 0 : index
    %get3A_36 = arith.constant 0 : index
    %get3A_37 = vector.load %arg4[%get3A_35, %get3A_36] : memref<1x128xf32, #tpu.memory_space<vmem>>, vector<1x128xf32>
    %add3A_38 = vector.broadcast %get3A_37 : vector<1x128xf32> to vector<1000x128xf32>
    %add3A_39 = arith.addf %mul3A_34, %add3A_38 : vector<1000x128xf32>
    %get3A_40 = arith.constant 0 : index
    %get3A_41 = arith.constant 0 : index
    %get3A_42 = vector.load %arg5[%get3A_40, %get3A_41] : memref<1000x128xf32, #tpu.memory_space<vmem>>, vector<1000x128xf32>
    %add3A_43 = arith.addf %add3A_39, %get3A_42 : vector<1000x128xf32>
    %max3A_44 = arith.constant 0.000000e+00 : f32
    %max3A_45 = vector.broadcast %max3A_44 : f32 to vector<1000x128xf32>
    %max3A_46 = arith.maximumf %add3A_43, %max3A_45 : vector<1000x128xf32>
    %swap3A = arith.constant 0 : index
    %swap3A_47 = arith.constant 0 : index
    %swap3A_48 = vector.load %arg6[%swap3A, %swap3A_47] : memref<1000x128xf32, #tpu.memory_space<vmem>>, vector<1000x128xf32>
    tpu.vector_store %arg6[%swap3A, %swap3A_47], %max3A_46 {strides = array<i32>} : memref<1000x128xf32, #tpu.memory_space<vmem>>, vector<1000x128xf32>,
    return
  }
  func.func @transform_0(%arg0: i32) -> (i32, i32) {
    %c0_i32 = arith.constant 0 : i32
    %c0_i32_0 = arith.constant 0 : i32
    return %arg0, %c0_i32 : i32, i32
  }
  func.func @transform_1(%arg0: i32) -> (i32, i32, i32) {
    %c0_i32 = arith.constant 0 : i32
    %c0_i32_0 = arith.constant 0 : i32
    %c0_i32_1 = arith.constant 0 : i32
    %c0_i32_2 = arith.constant 0 : i32
    return %c0_i32, %c0_i32_0, %c0_i32_1 : i32, i32, i32
  }
  func.func @transform_2(%arg0: i32) -> (i32, i32) {
    %c0_i32 = arith.constant 0 : i32
    %c0_i32_0 = arith.constant 0 : i32
    %c0_i32_1 = arith.constant 0 : i32
    return %c0_i32, %c0_i32_0 : i32, i32
  }
  func.func @transform_3(%arg0: i32) -> (i32, i32) {
    %c0_i32 = arith.constant 0 : i32
    %c0_i32_0 = arith.constant 0 : i32
    %c0_i32_1 = arith.constant 0 : i32
    return %c0_i32, %c0_i32_0 : i32, i32
  }
  func.func @transform_4(%arg0: i32) -> (i32, i32) {
    %c0_i32 = arith.constant 0 : i32
    %c0_i32_0 = arith.constant 0 : i32
    return %arg0, %c0_i32 : i32, i32
  }
  func.func @transform_5(%arg0: i32) -> (i32, i32) {
    %c0_i32 = arith.constant 0 : i32
    %c0_i32_0 = arith.constant 0 : i32
    return %arg0, %c0_i32 : i32, i32
  }
}

</mosaic_0001>

<sc_bundles>
// kernel: kernel.9.cloned.1.call-start
scs
__scs_entry_jumppad:
0x0: {  	(pc) =	sbr.rel $0x88, $3  }
0x1: {  	(tag) =	ssettag $0x0;
	lr =	simm.s32 $0x1  }
0x2: {  	[smem:$0x3F91] =	sst lr;
	_ =	strace $0xD0000000  }
0x3: {  	_ = 	snop  }
0x4: {  	_ = 	snop  }
0x5: {  	_ = 	snop  }
0x6: {  	_ = 	snop  }
0x7: {  	_ = 	snop  }
__scs_overlays_trampoline_lowered:
0x8: {  	[smem:$0x3FA0] =	sst s0  }
0x9: {  	[smem:$0x3FA1] =	sst s1  }
0xa: {  	[smem:$0x3FA2] =	sst s2  }
0xb: {  	[smem:$0x3FA3] =	sst s3  }
0xc: {  	[smem:$0x3FA4] =	sst s4  }
0xd: {  	[smem:$0x3FA5] =	sst s5  }
0xe: {  	[smem:$0x3FA6] =	sst s6  }
0xf: {  	[smem:$0x3FA7] =	sst s7  }
0x10: {  	[smem:$0x3FA8] =	sst s8  }
0x11: {  	[smem:$0x3FA9] =	sst s9;
	s0 =	simm.s32 @!p0 $0x0  }
0x12: {  	s1 =	sld [smem:$0x3F8F];
	s0 =	simm.s32 @p0 $0x1  }
0x13: {  	[smem:$0x3FAA] =	sst s0;
	s0 =	simm.s32 @!p1 $0x0  }
0x14: {  	s2 =	sld [smem:$0x3F8E];
	s0 =	simm.s32 @p1 $0x1  }
0x15: {  	[smem:$0x3FAB] =	sst s0;
	s0 =	simm.s32 @!p2 $0x0  }
0x16: {  	s3 =	sld [smem:$0x3FDB];
	s0 =	simm.s32 @p2 $0x1  }
0x17: {  	s4 =	simm.s32 $0x1BF5;
	[smem:$0x3FAD] =	sst s0  }
0x18: {  	s0 =	sld [smem:$0x3F90];
	_ =	swait.ge [sflag:s4], $0x0  }
0x19: {  	s7 =	sld [smem:$0x3F91]  }
0x1a: {  	s8 =	sadd.s32 $0xFFFFE003, lr  }
0x1b: {  	s9 =	sadd.s32 $0xFFFFFEF7, lr;
	s5 =	simm.s32 $0xFFFFFFFF;
	p2 =	slt.u32 s8, $0xFFFFF086  }
0x1c: {  	p1 =	slt.u32 s9, $0xF7A;
	s5 =	simm.s32 @!p2 $0x0  }
0x1d: {  	s5 =	simm.s32 @p1 $0x1;
	p0 =	seq.s32 s7, s2  }
0x1e: {  	s7 =	smul.u32 @!p0 $0xF7A, s2;
	p2 =	seq.s32 @!p0 s5, $0x0  }
0x1f: {  	s9 =	smul.u32 $0xF7A, s1;
	s8 =	simm.s32 @!p0 $0x1BF5;
	p2 =	por !p2, p0  }
0x20: {  	[sflag:s8] =	ssyncset.s32 @!p0 $0xFFFFF086;
	s6 =	sadd.s32 @!p0 s3, s7;
	s7 =	simm.s32 @!p0 $0x108  }
0x21: {  	s3 =	sadd.s32 s3, s9;
	s6 =	sadd.s32 @!p0 $0x88, s6;
	s7 =	simm.s32 @p2 $0x1082  }
0x22: {  	[simem:s7], [sflag:s8] =	dma.local @!p0 [hbm:s6], $0xF7A  }
0x23: {  	s9 =	sor.u32 $0xD0000000, s2;
	s6 =	simm.s32 $0x108;
	_ =	swait.ge @!p0 [sflag:s8], $0x0  }
0x24: {  	s3 =	sadd.s32 $0x88, s3;
	s6 =	simm.s32 @!p1 $0x1082;
	[sflag:s4] =	ssyncset.s32 $0xFFFFF086  }
0x25: {  	[simem:s6], [sflag:s4] =	dma.local [hbm:s3], $0xF7A  }
0x26: {  	[smem:$0x3F91] =	sst s1;
	(tag) =	ssettag s2;
	_ =	strace s9  }
0x27: {  	s1 =	sld [smem:$0x3FA1]  }
0x28: {  	s2 =	sld [smem:$0x3FA2]  }
0x29: {  	s4 =	sld [smem:$0x3FA4]  }
0x2a: {  	p0 =	seq.s32 s5, $0x0;
	s5 =	sld [smem:$0x3FA5]  }
0x2b: {  	s6 =	sld [smem:$0x3FA6]  }
0x2c: {  	s7 =	sld [smem:$0x3FA7]  }
0x2d: {  	s3 =	simm.s32 $0x108;
	s8 =	sld [smem:$0x3FA8]  }
0x2e: {  	s3 =	simm.s32 @!p0 $0x1082;
	s9 =	sld [smem:$0x3FA9]  }
0x2f: {  	lr =	sadd.s32 s0, s3;
	s0 =	sld [smem:$0x3FA0]  }
0x30: {  	s3 =	sld [smem:$0x3FA3]  }
0x31: {  	[smem:$0x3FAC] =	sst s10  }
0x32: {  	s10 =	sld [smem:$0x3FAA];
	_ =	sdelay $0x3  }
0x33: {  	p0 =	seq.s32 s10, $0x1;
	s10 =	sld [smem:$0x3FAC];
	_ =	sdelay $0x3  }
0x34: {  	[smem:$0x3FAC] =	sst s10  }
0x35: {  	s10 =	sld [smem:$0x3FAB];
	_ =	sdelay $0x3  }
0x36: {  	p1 =	seq.s32 s10, $0x1;
	s10 =	sld [smem:$0x3FAC];
	_ =	sdelay $0x3  }
0x37: {  	[smem:$0x3FAC] =	sst s10  }
0x38: {  	s10 =	sld [smem:$0x3FAD]  }
0x39: {  	_ = 	snop;
	(pc) =	sbr.ind lr, $3  }
0x3a: {  	_ = 	snop  }
0x3b: {  	_ = 	snop  }
0x3c: {  	p2 =	seq.s32 s10, $0x1;
	s10 =	sld [smem:$0x3FAC]  }
0x3d: {  	_ =	shalt  }
0x3e: {  	_ =	shalt  }
0x3f: {  	_ =	shalt  }
0x40: {  	_ =	shalt  }
0x41: {  	_ =	shalt  }
0x42: {  	_ =	shalt  }
0x43: {  	_ =	shalt  }
0x44: {  	_ =	shalt  }
0x45: {  	_ =	shalt  }
0x46: {  	_ =	shalt  }
0x47: {  	_ =	shalt  }
0x48: {  	_ =	shalt  }
0x49: {  	_ =	shalt  }
0x4a: {  	_ =	shalt  }
0x4b: {  	_ =	shalt  }
0x4c: {  	_ =	shalt  }
0x4d: {  	_ =	shalt  }
0x4e: {  	_ =	shalt  }
0x4f: {  	_ =	shalt  }
0x50: {  	_ =	shalt  }
0x51: {  	_ =	shalt  }
0x52: {  	_ =	shalt  }
0x53: {  	_ =	shalt  }
0x54: {  	_ =	shalt  }
0x55: {  	_ =	shalt  }
0x56: {  	_ =	shalt  }
0x57: {  	_ =	shalt  }
0x58: {  	_ =	shalt  }
0x59: {  	_ =	shalt  }
0x5a: {  	_ =	shalt  }
0x5b: {  	_ =	shalt  }
0x5c: {  	_ =	shalt  }
0x5d: {  	_ =	shalt  }
0x5e: {  	_ =	shalt  }
0x5f: {  	_ =	shalt  }
0x60: {  	_ =	shalt  }
0x61: {  	_ =	shalt  }
0x62: {  	_ =	shalt  }
0x63: {  	_ =	shalt  }
0x64: {  	_ =	shalt  }
0x65: {  	_ =	shalt  }
0x66: {  	_ =	shalt  }
0x67: {  	_ =	shalt  }
0x68: {  	_ =	shalt  }
0x69: {  	_ =	shalt  }
0x6a: {  	_ =	shalt  }
0x6b: {  	_ =	shalt  }
0x6c: {  	_ =	shalt  }
0x6d: {  	_ =	shalt  }
0x6e: {  	_ =	shalt  }
0x6f: {  	_ =	shalt  }
0x70: {  	_ =	shalt  }
0x71: {  	_ =	shalt  }
0x72: {  	_ =	shalt  }
0x73: {  	_ =	shalt  }
0x74: {  	_ =	shalt  }
0x75: {  	_ =	shalt  }
0x76: {  	_ =	shalt  }
0x77: {  	_ =	shalt  }
0x78: {  	_ =	shalt  }
0x79: {  	_ =	shalt  }
0x7a: {  	_ =	shalt  }
0x7b: {  	_ =	shalt  }
0x7c: {  	_ =	shalt  }
0x7d: {  	_ =	shalt  }
0x7e: {  	_ =	shalt  }
0x7f: {  	_ =	shalt  }
0x80: {  	_ =	shalt  }
0x81: {  	_ =	shalt  }
0x82: {  	_ =	shalt  }
0x83: {  	_ =	shalt  }
0x84: {  	_ =	shalt  }
0x85: {  	_ =	shalt  }
0x86: {  	_ =	shalt  }
0x87: {  	_ =	shalt  }
.Lfunc_end0:
.L_simem_size_0:
called_computation_lowered:
.L_overlay_start_0:
0x88: {  	s2 =	sld [smem:$0x3FD9]  }
0x89: {  	s3 =	sld [smem:$0x3FFE];
	_ =	sdelay $0x1  }
0x8a: {  	s1 =	srdreg.scid  }
0x8b: {  	s0 =	sand.u32 $0x1, s1  }
0x8c: {  	s17 =	sshll.u32 s0, $0xA;
	s2 =	sadd.s32 s3, s2  }
0x8d: {  	s2 =	sadd.s32 s2, s17  }
0x8e: {  	[smem:$0x3FB8] =	sst s2  }
0x8f: {  	_ = 	snop  }
0x90: {  	s2 =	sld [smem:$0x3FD0];
	(tm) =	ssettm $0x1  }
0x91: {  	s18 =	sld [smem:$0x3FFB];
	_ =	sdelay $0x3  }
0x92: {  	_ =	strace s18  }
0x93: {  	s3 =	sld [smem:$0x3FFC];
	_ =	sdelay $0x3  }
0x94: {  	_ =	strace s3  }
0x95: {  	s3 =	sld [smem:$0x3FFD];
	_ =	sdelay $0x3  }
0x96: {  	_ =	strace s3  }
0x97: {  	_ =	strace $0x8FFFFFFF  }
0x98: {  	s19 =	sld [smem:$0x3FDB];
	_ =	sdelay $0x1  }
0x99: {  	s4 =	simm.s32 $_scs_section_size  }
0x9a: {  	s5 =	simm.s32 $_size__tile_overlayer_lowered;
	s6 =	simm.s32 $_tile_overlayer_lowered  }
0x9b: {  	s22 =	simm.s32 $0x1BFF;
	s21 =	sshll.u32 s6, $0x1;
	s3 =	sadd.s32 s4, s19  }
0x9c: {  	s7 =	simm.s32 $0x0;
	s20 =	sshll.u32 s5, $0x1;
	s5 =	sadd.s32 s21, s3  }
0x9d: {  	[timem:s7], [sflag:s22] =	dma.local [hbm:s5], s20  }
0x9e: {  	_ =	swait.ge [sflag:s22], s20  }
0x9f: {  	s4 =	ssub.s32 $0x0, s20;
	[sflag:s22] =	ssyncset.done $0x0  }
0xa0: {  	[sflag:s22] =	ssyncadd.s32 s4;
	_ =	sdelay $0x1  }
0xa1: {  	s23 =	simm.s32 $0x1B8B  }
0xa2: {  	_ =	swait.ge [sflag:s23], $0x1  }
0xa3: {  	[sflag:s23] =	ssyncset.done $0x0  }
0xa4: {  	s25 =	simm.s32 $0x1B8E;
	s24 =	sld [smem:$0x3FFE];
	[sflag:s23] =	ssyncadd.s32 $0xFFFFFFFF  }
0xa5: {  	s26 =	simm.s32 $execute0_lowered;
	[smem:$0x3FD2] =	sst s25  }
0xa6: {  	s5 =	sshll.u32 s26, $0x1;
	_ =	strace $0x80000046;
	[dreg:$0x1] =	wrdreg $0xFFFFFFFF  }
0xa7: {  	s28 =	simm.s32 $_size_execute0_lowered;
	s3 =	sadd.s32 s3, s5;
	[dreg:$0x0] =	wrdreg $0x0  }
0xa8: {  	s5 =	sshll.u32 s28, $0x1;
	[dreg:$0x2] =	wrdreg s3  }
0xa9: {  	[dreg:$0x3] =	wrdreg s5  }
0xaa: {  	[dreg:$0x4] =	wrdreg $0xC0  }
0xab: {  	_ =	task [dreg:s7], $0x5FFFF  }
0xac: {  	[dreg:$0x1] =	wrdreg $0xFFFFFFFF  }
0xad: {  	[dreg:$0x0] =	wrdreg $0x60  }
0xae: {  	[dreg:$0x2] =	wrdreg s2  }
0xaf: {  	[dreg:$0x3] =	wrdreg s24  }
0xb0: {  	[dreg:$0x4] =	wrdreg $0x9  }
0xb1: {  	_ =	task.clear_ibuf [dreg:s7], $0x5FFFF;
	_ =	strace $0x90000046  }
0xb2: {  	s29 =	simm.s32 $0x9;
	_ =	strace $0x80000048  }
0xb3: {  	_ =	swait.ge [sflag:s29], $0x1  }
0xb4: {  	[sflag:s29] =	ssyncadd.s32 $0xFFFFFFFF  }
0xb5: {  	_ =	strace $0x90000048  }
0xb6: {  	_ =	sfence  }
0xb7: {  	s30 =	sld [smem:$0x0];
	_ =	sdelay $0x2  }
0xb8: {  	s31 =	sshll.u32 s1, $0xD;
	s1 =	sshrl.u32 s1, $0x2  }
0xb9: {  	s3 =	sand.u32 $0x4000, s31;
	s1 =	sadd.s32 s1, s30  }
0xba: {  	s0 =	sor.u32 s3, s0;
	s1 =	sshll.u32 s1, $0x11  }
0xbb: {  	s0 =	sor.u32 s1, s0  }
0xbc: {  	s0 =	sadd.s32 $0x8F2B, s0  }
0xbd: {  	[sflag:s0] =	ssyncadd.remote.s32 $0x1  }
0xbe: {  	_ =	sfence.sel $0xFFFF  }
0xbf: {  	[dreg:$0x0] =	wrdreg $0xFFFFFFFF;
	(pc) =	sbr.abs _section_cstart, $3  }
0xc0: {  	[dreg:$0x1] =	wrdreg $0xFFFFFFFF  }
0xc1: {  	_ =	task.clear_ibuf [dreg:s7], $0x2FFFF;
	_ =	strace $0x9FFFFFFF  }
0xc2: {  	(tm) =	ssettm $0x7FFFFFFF  }
0xc3: {  	_ =	shalt  }
tec
execute0_lowered:
.L_overlay_start_1:
0x0: {  	(tag) =	ssettag $0x1  }
0x1: {  	s1 =	rddreg [dreg:$0x0]  }
0x2: {  	s5 =	rddreg [dreg:$0x1]  }
0x3: {  	s0 =	rddreg [dreg:$0x2]  }
0x4: {  	s3 =	simm.s32 $0x0;
	s4 =	srdreg.scid;
	s2 =	stileid.u32  }
0x5: {  	[smem:$0x7FF] =	sst s3;
	s6 =	sand.u32 $0x1, s4;
	s4 =	sadd.s32 $0x18800, s5  }
0x6: {  	s7 =	sshll.u32 s2, $0x5;
	s9 =	sshll.u32 s2, $0xC;
	_ =	strace $0x80000047  }
0x7: {  	s8 =	ssub.s32 $0x2, s6;
	s7 =	sadd.s32 s7, s5;
	s9 =	sadd.s32 s9, s5  }
0x8: {  	s31 =	sshll.u32 s6, $0x4;
	s11 =	sshll.u32 s6, $0xB;
	s10 =	sshrl.u32 s8, $0x1  }
0x9: {  	s5 =	sshll.u32 s2, $0x1;
	s11 =	sadd.s32 s11, s9;
	s8 =	ssub.s32 s8, s10  }
0xa: {  	s10 =	sadd.s32 s31, s7;
	s9 =	sadd.s32 $0x521A00, s11;
	s6 =	smax.u32 s8, $0x1  }
0xb: {  	s7 =	sadd.s32 $0xEA00, s10;
	s8 =	sadd.s32 $0x4C00, s10;
	s10 =	sadd.s32 $0x3FA00, s11  }
.LBB2_1:
0xc: {  	p0 =	sgt.u32 s5, $0x9C3  }
0xd: {  	s11 =	sadd.s32 @!p0 $0x0, s8;
	s12 =	simm.s32 @!p0 $0x0;
	s15 =	simm.s32 @!p0 $0x4  }
0xe: {  	[tilespmem:s12], [sflag:$0x4] =	stream.linear.gather @!p0 [hbm4b:s11+s12], $0x80, $0x38;
	[tilespmem:$0x8100] =	vst v63  }
0xf: {  	_ =	swait.ge @!p0 [sflag:s15], $0x80;
	p0 =	por p0, p0  }
0x10: {  	[sflag:s15] =	ssyncset.done @!p0 $0x0  }
0x11: {  	s11 =	sadd.s32 @!p0 $0x0, s7;
	s13 =	simm.s32 @!p0 $0x80;
	[sflag:s15] =	ssyncadd.s32 @!p0 $0xFFFFFF80  }
0x12: {  	[tilespmem:s13], [sflag:$0x4] =	stream.linear.gather @!p0 [hbm4b:s11+s12], $0x80, $0x38;
	[tilespmem:$0x8100] =	vst v63  }
0x13: {  	_ =	swait.ge @!p0 [sflag:s15], $0x80  }
0x14: {  	[sflag:s15] =	ssyncset.done @!p0 $0x0  }
0x15: {  	s11 =	simm.s32 @!p0 $0x100;
	[sflag:s15] =	ssyncadd.s32 @!p0 $0xFFFFFF80  }
0x16: {  	[tilespmem:s11], [sflag:$0x1] =	stream.indirect.gather @!p0 [hbm4b:s1+s13], $0x80, s12, s13, $0xb8;
	[tilespmem:$0x8100] =	vst v63  }
0x17: {  	s16 =	simm.s32 @!p0 $0x4100;
	s14 =	simm.s32 @!p0 $0x1  }
0x18: {  	[tilespmem:s16], [sflag:$0x2] =	stream.indirect.gather @!p0 [hbm4b:s4+s13], $0x80, s13, s13, $0xb8;
	[tilespmem:$0x8100] =	vst v63  }
0x19: {  	_ =	swait.ge @!p0 [sflag:s14], $0x4000  }
0x1a: {  	[sflag:s14] =	ssyncset.done @!p0 $0x0  }
0x1b: {  	s13 =	simm.s32 @!p0 $0x2;
	[sflag:s14] =	ssyncadd.s32 @!p0 $0xFFFFC000  }
0x1c: {  	_ =	swait.ge @!p0 [sflag:s13], $0x4000  }
0x1d: {  	[sflag:s13] =	ssyncset.done @!p0 $0x0  }
0x1e: {  	[sflag:s13] =	ssyncadd.s32 @!p0 $0xFFFFC000  }
0x1f: {  	[hbm4b:s10+s12] =	stream.linear.scatter @!p0 [tilespmem:s11], [sflag:$0x4], $0x4000, $0x38;
	[tilespmem:$0x8100] =	vst v63  }
0x20: {  	_ =	swait.ge @!p0 [sflag:s15], $0x4000  }
0x21: {  	[sflag:s15] =	ssyncset.done @!p0 $0x0  }
0x22: {  	s14 =	simm.s32 $0x400;
	s13 =	simm.s32 $0x200;
	[sflag:s15] =	ssyncadd.s32 @!p0 $0xFFFFC000  }
0x23: {  	[hbm4b:s9+s12] =	stream.linear.scatter @!p0 [tilespmem:s16], [sflag:$0x3], $0x4000, $0x38;
	[tilespmem:$0x8100] =	vst v63  }
0x24: {  	s11 =	sadd.s32 $0x10000, s10;
	s15 =	sadd.s32 $0x20, s5;
	s16 =	simm.s32 @!p0 $0x3  }
0x25: {  	p2 =	sgt.u32 s15, $0x9C3;
	s12 =	sadd.s32 $0x10000, s9;
	_ =	swait.ge @!p0 [sflag:s16], $0x4000  }
.LBB2_2:
0x26: {  	s17 =	sadd.s32 @!p2 s13, s8  }
0x27: {  	s18 =	simm.s32 @!p2 $0x0;
	[sflag:s16] =	ssyncset.done @!p0 $0x0;
	s19 =	smov.u32 s14  }
0x28: {  	s14 =	sadd.s32 $0x200, s14;
	s20 =	simm.s32 @!p2 $0x4;
	[sflag:s16] =	ssyncadd.s32 @!p0 $0xFFFFC000  }
0x29: {  	[tilespmem:s18], [sflag:$0x4] =	stream.linear.gather @!p2 [hbm4b:s17+s18], $0x80, $0x38;
	[tilespmem:$0x8100] =	vst v63  }
0x2a: {  	p1 =	sne.s32 s14, $0x9E00;
	p0 =	por p2, p2;
	_ =	swait.ge @!p2 [sflag:s20], $0x80  }
0x2b: {  	[sflag:s20] =	ssyncset.done @!p0 $0x0  }
0x2c: {  	s13 =	sadd.s32 @!p0 s13, s7;
	s16 =	simm.s32 @!p0 $0x80;
	[sflag:s20] =	ssyncadd.s32 @!p0 $0xFFFFFF80  }
0x2d: {  	[tilespmem:s16], [sflag:$0x4] =	stream.linear.gather @!p0 [hbm4b:s13+s18], $0x80, $0x38;
	[tilespmem:$0x8100] =	vst v63  }
0x2e: {  	s13 =	smov.u32 s19;
	_ =	swait.ge @!p0 [sflag:s20], $0x80  }
0x2f: {  	[sflag:s20] =	ssyncset.done @!p0 $0x0  }
0x30: {  	s17 =	simm.s32 @!p0 $0x100;
	[sflag:s20] =	ssyncadd.s32 @!p0 $0xFFFFFF80  }
0x31: {  	[tilespmem:s17], [sflag:$0x1] =	stream.indirect.gather @!p0 [hbm4b:s1+s16], $0x80, s18, s16, $0xb8;
	[tilespmem:$0x8100] =	vst v63  }
0x32: {  	s21 =	simm.s32 @!p0 $0x1;
	s19 =	simm.s32 @!p0 $0x4100  }
0x33: {  	[tilespmem:s19], [sflag:$0x2] =	stream.indirect.gather @!p0 [hbm4b:s4+s16], $0x80, s16, s16, $0xb8;
	[tilespmem:$0x8100] =	vst v63  }
0x34: {  	_ =	swait.ge @!p0 [sflag:s21], $0x4000  }
0x35: {  	[sflag:s21] =	ssyncset.done @!p0 $0x0  }
0x36: {  	s16 =	simm.s32 @!p0 $0x2;
	[sflag:s21] =	ssyncadd.s32 @!p0 $0xFFFFC000  }
0x37: {  	_ =	swait.ge @!p0 [sflag:s16], $0x4000  }
0x38: {  	[sflag:s16] =	ssyncset.done @!p0 $0x0  }
0x39: {  	[sflag:s16] =	ssyncadd.s32 @!p0 $0xFFFFC000  }
0x3a: {  	[hbm4b:s11+s18] =	stream.linear.scatter @!p0 [tilespmem:s17], [sflag:$0x4], $0x4000, $0x38;
	[tilespmem:$0x8100] =	vst v63  }
.Ltmp0:
0x3b: {  	_ =	swait.ge @!p0 [sflag:s20], $0x4000;
	(pc) =	sbr.rel @p1 .LBB2_2-.Ltmp0, $4  }
0x3c: {  	s11 =	sadd.s32 $0x10000, s11;
	[sflag:s20] =	ssyncset.done @!p0 $0x0  }
0x3d: {  	s15 =	sadd.s32 $0x20, s15;
	s16 =	simm.s32 @!p0 $0x3;
	[sflag:s20] =	ssyncadd.s32 @!p0 $0xFFFFC000  }
0x3e: {  	[hbm4b:s12+s18] =	stream.linear.scatter @!p0 [tilespmem:s19], [sflag:$0x3], $0x4000, $0x38;
	[tilespmem:$0x8100] =	vst v63  }
0x3f: {  	p2 =	sgt.u32 s15, $0x9C3;
	s12 =	sadd.s32 $0x10000, s12;
	_ =	swait.ge @!p0 [sflag:s16], $0x4000  }
0x40: {  	s14 =	sadd.s32 @!p2 s13, s8;
	[sflag:s16] =	ssyncset.done @!p0 $0x0  }
0x41: {  	s15 =	simm.s32 @!p2 $0x0;
	s17 =	simm.s32 @!p2 $0x4;
	[sflag:s16] =	ssyncadd.s32 @!p0 $0xFFFFC000  }
0x42: {  	[tilespmem:s15], [sflag:$0x4] =	stream.linear.gather @!p2 [hbm4b:s14+s15], $0x80, $0x38;
	[tilespmem:$0x8100] =	vst v63  }
0x43: {  	p0 =	por p2, p2;
	_ =	swait.ge @!p2 [sflag:s17], $0x80  }
0x44: {  	[sflag:s17] =	ssyncset.done @!p0 $0x0  }
0x45: {  	s13 =	sadd.s32 @!p0 s13, s7;
	s14 =	simm.s32 @!p0 $0x80;
	[sflag:s17] =	ssyncadd.s32 @!p0 $0xFFFFFF80  }
0x46: {  	[tilespmem:s14], [sflag:$0x4] =	stream.linear.gather @!p0 [hbm4b:s13+s15], $0x80, $0x38;
	[tilespmem:$0x8100] =	vst v63  }
0x47: {  	_ =	swait.ge @!p0 [sflag:s17], $0x80  }
0x48: {  	[sflag:s17] =	ssyncset.done @!p0 $0x0  }
0x49: {  	s13 =	simm.s32 @!p0 $0x100;
	[sflag:s17] =	ssyncadd.s32 @!p0 $0xFFFFFF80  }
0x4a: {  	[tilespmem:s13], [sflag:$0x1] =	stream.indirect.gather @!p0 [hbm4b:s1+s14], $0x80, s15, s14, $0xb8;
	[tilespmem:$0x8100] =	vst v63  }
0x4b: {  	s16 =	simm.s32 @!p0 $0x4100;
	s18 =	simm.s32 @!p0 $0x1  }
0x4c: {  	[tilespmem:s16], [sflag:$0x2] =	stream.indirect.gather @!p0 [hbm4b:s4+s14], $0x80, s14, s14, $0xb8;
	[tilespmem:$0x8100] =	vst v63  }
0x4d: {  	_ =	swait.ge @!p0 [sflag:s18], $0x4000  }
0x4e: {  	[sflag:s18] =	ssyncset.done @!p0 $0x0  }
0x4f: {  	s14 =	simm.s32 @!p0 $0x2;
	[sflag:s18] =	ssyncadd.s32 @!p0 $0xFFFFC000  }
0x50: {  	_ =	swait.ge @!p0 [sflag:s14], $0x4000  }
0x51: {  	[sflag:s14] =	ssyncset.done @!p0 $0x0  }
0x52: {  	[sflag:s14] =	ssyncadd.s32 @!p0 $0xFFFFC000  }
0x53: {  	[hbm4b:s11+s15] =	stream.linear.scatter @!p0 [tilespmem:s13], [sflag:$0x4], $0x4000, $0x38;
	[tilespmem:$0x8100] =	vst v63  }
0x54: {  	s3 =	sadd.s32 $0x1, s3;
	_ =	swait.ge @!p0 [sflag:s17], $0x4000  }
0x55: {  	p1 =	sne.s32 s3, s6;
	[sflag:s17] =	ssyncset.done @!p0 $0x0  }
.Ltmp1:
0x56: {  	s11 =	simm.s32 @!p0 $0x3;
	[sflag:s17] =	ssyncadd.s32 @!p0 $0xFFFFC000;
	(pc) =	sbr.rel @p1 .LBB2_1-.Ltmp1, $4  }
0x57: {  	[hbm4b:s12+s15] =	stream.linear.scatter @!p0 [tilespmem:s16], [sflag:$0x3], $0x4000, $0x38;
	[tilespmem:$0x8100] =	vst v63  }
0x58: {  	_ =	swait.ge @!p0 [sflag:s11], $0x4000  }
0x59: {  	[sflag:s11] =	ssyncset.done @!p0 $0x0  }
0x5a: {  	[sflag:s11] =	ssyncadd.s32 @!p0 $0xFFFFC000  }
0x5b: {  	_ =	sfence.sel $0x180000  }
0x5c: {  	[bflag:$0x0] =	sbarrier.arrive $0xFFFF  }
0x5d: {  	p0 =	sne.s32 s2, $0x0;
	_ =	strace $0x90000047  }
0x5e: {  	s0 =	sadd.s32 @!p0 $0x100000, s0;
	[bflag:$0x2] =	sbarrier.arrive $0xFFFF  }
0x5f: {  	[sflag:s0] =	ssyncadd.tile.s32 @!p0 $0x1;
	_ =	shalt  }
.Lfunc_end2:
_tile_overlayer_lowered:
.L_overlay_start_2:
0x60: {  	(tag) =	ssettag $0x2  }
0x61: {  	s0 =	rddreg [dreg:$0x0];
	s2 =	stileid.u32  }
0x62: {  	s1 =	rddreg [dreg:$0x1];
	p0 =	sne.s32 s2, $0x0  }
0x63: {  	s3 =	rddreg [dreg:$0x2];
	[bflag:$0x3] =	sbarrier.arrive $0xFFFF;
	s2 =	simm.s32 @!p0 $0x1C03  }
0x64: {  	[timem:s3], [sflag:s2] =	dma.local @!p0 [hbm:s0], s1  }
0x65: {  	s0 =	simm.s32 @!p0 $0x3  }
0x66: {  	_ =	swait.ge @!p0 [sflag:s0], s1  }
0x67: {  	s1 =	ssub.s32 @!p0 $0x0, s1;
	[sflag:s0] =	ssyncset.done @!p0 $0x0  }
0x68: {  	[sflag:s0] =	ssyncadd.s32 @!p0 s1  }
0x69: {  	[bflag:$0x3] =	sbarrier.arrive $0xFFFF  }
0x6a: {  	_ =	shalt  }

</sc_bundles>
